<compile_context>
chip_gen: v7x
topology: tpu7x:2x2x1
jax: 0.10.2.dev20260603
libtpu: 0.0.44.dev20260713+nightly
codegen_flags: <defaults>
</compile_context>

<pallas_src>
import functools

import jax
import jax.numpy as jnp
from jax import lax
from jax.experimental import pallas as pl
from jax.experimental.pallas import tpu as pltpu
from jax.experimental.pallas import tpu_sc as plsc

NN = 10000
DD = 128
EE = 320000

NC = 2
NS = 16
NW = NC * NS
LL = 16

NPAD = 10240
SEGF = NPAD // NS

ETOT = EE + NN
EPAD = ((ETOT + NW * LL - 1) // (NW * LL)) * (NW * LL)
EPT = EPAD // NW
NV = EPT // LL

_MESH = dict(core_axis_name="c", subcore_axis_name="s",
             num_cores=NC, num_subcores=NS)
_SC_PARAMS = pltpu.CompilerParams(needs_layout_passes=False)


def _reduce_emit(acc, shared, out_hbm, cid, sid, seg_acc, seg_tmp):
    pltpu.sync_copy(acc, shared.at[sid])
    plsc.subcore_barrier()
    off = sid * SEGF
    pltpu.sync_copy(shared.at[0, pl.ds(off, SEGF)], seg_acc)

    def tile_body(t, _):
        pltpu.sync_copy(shared.at[t, pl.ds(off, SEGF)], seg_tmp)

        def add_body(i, _):
            seg_acc[pl.ds(i * LL, LL)] = (
                seg_acc[pl.ds(i * LL, LL)] + seg_tmp[pl.ds(i * LL, LL)])
            return 0

        lax.fori_loop(0, SEGF // LL, add_body, 0)
        return 0

    lax.fori_loop(1, NS, tile_body, 0)
    pltpu.sync_copy(seg_acc, out_hbm.at[cid, pl.ds(off, SEGF)])


def _zero_vmem(ref, nwords):
    z = jnp.zeros((LL,), jnp.float32)

    def body(i, _):
        ref[pl.ds(i * LL, LL)] = z
        return 0

    lax.fori_loop(0, nwords // LL, body, 0)


@functools.partial(
    pl.kernel,
    out_type=jax.ShapeDtypeStruct((NC, NPAD), jnp.float32),
    mesh=plsc.VectorSubcoreMesh(**_MESH),
    compiler_params=_SC_PARAMS,
    scratch_types=[
        pltpu.VMEM((EPT,), jnp.int32),
        pltpu.VMEM((NPAD,), jnp.float32),
        pltpu.VMEM((SEGF,), jnp.float32),
        pltpu.VMEM((SEGF,), jnp.float32),
        pltpu.VMEM_SHARED((NS, NPAD), jnp.float32),
    ],
)
def _deg_kernel(col_hbm, out_hbm, colv, acc, seg_acc, seg_tmp, shared):
    cid = lax.axis_index("c")
    sid = lax.axis_index("s")
    wid = cid * NS + sid
    pltpu.sync_copy(col_hbm.at[pl.ds(wid * EPT, EPT)], colv)
    _zero_vmem(acc, NPAD)
    ones = jnp.ones((LL,), jnp.float32)

    def edge_body(i, _):
        c = colv[pl.ds(i * LL, LL)]
        plsc.addupdate_scatter(acc, [c], ones)
        return 0

    lax.fori_loop(0, NV, edge_body, 0)
    _reduce_emit(acc, shared, out_hbm, cid, sid, seg_acc, seg_tmp)


def _make_hop(num_partials):
    @functools.partial(
        pl.kernel,
        out_type=jax.ShapeDtypeStruct((NC, NPAD), jnp.float32),
        mesh=plsc.VectorSubcoreMesh(**_MESH),
        compiler_params=_SC_PARAMS,
        scratch_types=[
            pltpu.VMEM((EPT,), jnp.int32),
            pltpu.VMEM((EPT,), jnp.int32),
            pltpu.VMEM((NPAD,), jnp.float32),
            pltpu.VMEM((NPAD,), jnp.float32),
            pltpu.VMEM((NPAD,), jnp.float32),
            pltpu.VMEM((NPAD,), jnp.float32),
            pltpu.VMEM((SEGF,), jnp.float32),
            pltpu.VMEM((SEGF,), jnp.float32),
            pltpu.VMEM_SHARED((NS, NPAD), jnp.float32),
        ],
    )
    def hop_kernel(yp_hbm, row_hbm, col_hbm, dinv_hbm, out_hbm,
                   rowv, colv, ytbl, dtbl, acc, ptmp, seg_acc, seg_tmp,
                   shared):
        cid = lax.axis_index("c")
        sid = lax.axis_index("s")
        wid = cid * NS + sid
        base = wid * EPT
        pltpu.sync_copy(row_hbm.at[pl.ds(base, EPT)], rowv)
        pltpu.sync_copy(col_hbm.at[pl.ds(base, EPT)], colv)
        pltpu.sync_copy(dinv_hbm.at[0], dtbl)
        pltpu.sync_copy(yp_hbm.at[0], ytbl)
        for p in range(1, num_partials):
            pltpu.sync_copy(yp_hbm.at[p], ptmp)

            def psum_body(i, _):
                ytbl[pl.ds(i * LL, LL)] = (
                    ytbl[pl.ds(i * LL, LL)] + ptmp[pl.ds(i * LL, LL)])
                return 0

            lax.fori_loop(0, NPAD // LL, psum_body, 0)
        _zero_vmem(acc, NPAD)

        def edge_body(i, _):
            r = rowv[pl.ds(i * LL, LL)]
            c = colv[pl.ds(i * LL, LL)]
            dr = plsc.load_gather(dtbl, [r])
            dc = plsc.load_gather(dtbl, [c])
            yv = plsc.load_gather(ytbl, [r])
            plsc.addupdate_scatter(acc, [c], dr * dc * yv)
            return 0

        lax.fori_loop(0, NV, edge_body, 0)
        _reduce_emit(acc, shared, out_hbm, cid, sid, seg_acc, seg_tmp)

    return hop_kernel


_hop1 = _make_hop(1)
_hop2 = _make_hop(NC)


def _tc_head(degp, xpad, w):
    def body(degp_ref, x_ref, w_ref, dinv_ref, y_ref):
        deg = degp_ref[0:1, :] + degp_ref[1:2, :]
        dinv_ref[:] = lax.rsqrt(jnp.maximum(deg, 1.0))
        y_ref[:] = jnp.dot(x_ref[:], w_ref[:],
                           preferred_element_type=jnp.float32)

    return pl.pallas_call(
        body,
        out_shape=(jax.ShapeDtypeStruct((1, NPAD), jnp.float32),
                   jax.ShapeDtypeStruct((NPAD, 1), jnp.float32)),
    )(degp, xpad, w)


def _tc_tail(z2, b2d):
    def body(z_ref, b_ref, o_ref):
        o_ref[:] = z_ref[0:1, :NN] + z_ref[1:2, :NN] + b_ref[:]

    return pl.pallas_call(
        body,
        out_shape=jax.ShapeDtypeStruct((1, NN), jnp.float32),
    )(z2, b2d)


def kernel(x, edge_index, W, b):
    loop_idx = jnp.arange(NN, dtype=jnp.int32)
    row = jnp.concatenate([edge_index[0].astype(jnp.int32), loop_idx])
    col = jnp.concatenate([edge_index[1].astype(jnp.int32), loop_idx])
    row = jnp.pad(row, (0, EPAD - ETOT), constant_values=NN)
    col = jnp.pad(col, (0, EPAD - ETOT), constant_values=NN)
    xpad = jnp.pad(x, ((0, NPAD - NN), (0, 0)))

    degp = _deg_kernel(col)
    dinv, y = _tc_head(degp, xpad, W)
    z1 = _hop1(y.reshape(1, NPAD), row, col, dinv)
    z2 = _hop2(z1, row, col, dinv)
    out = _tc_tail(z2, b.reshape(1, 1))
    return out.reshape(NN)

# --- scband reference (transcript-rebuilt; emitter-appended) ---
"""Pipeline reference for scband-sgc-14516989460624 (READ-ONLY COPY).

The authoritative reference and input builder live on the scoring server;
editing this copy changes nothing except your own understanding.
"""

import jax, jax.numpy as jnp
import numpy as np

N = 10000
E = 320000
D = 128
K = 2

def setup_inputs(seed: int = 0) -> dict:
    key = jax.random.key(seed)
    k1, k2, k3 = jax.random.split(key, 3)
    x = jax.random.normal(k1, (N, D), dtype=jnp.float32)
    edge_index = jax.random.randint(k2, (2, E), 0, N, dtype=jnp.int32)
    W = jax.random.normal(k3, (D, 1), dtype=jnp.float32) * (1.0 / np.sqrt(D))
    b = jnp.zeros((1,), dtype=jnp.float32)
    return {"x": x, "edge_index": edge_index, "W": W, "b": b}

def reference(x, edge_index, W, b):
    # SGConv with K=2: GCN-normalized propagation (with self-loops) applied K times, then linear.
    row = edge_index[0]
    col = edge_index[1]
    loop = jnp.arange(N, dtype=edge_index.dtype)
    row = jnp.concatenate([row, loop])
    col = jnp.concatenate([col, loop])
    ew = jnp.ones(row.shape[0], dtype=x.dtype)
    deg = jnp.zeros((N,), dtype=x.dtype).at[col].add(ew)
    dinv = jnp.where(deg > 0, 1.0 / jnp.sqrt(deg), 0.0)
    norm = dinv[row] * dinv[col]
    h = x
    for _ in range(K):
        msg = norm[:, None] * h[row]          # gather + scale (SparseCore gather)
        h = jnp.zeros_like(h).at[col].add(msg)  # scatter-add aggregation
    out = (h @ W + b).reshape(-1)
    return out

if __name__ == "__main__":
    import jax
    _d = setup_inputs()
    print(jax.jit(kernel)(*tuple(_d.values())))

</pallas_src>

<mosaic_0001>
#map = affine_map<(d0, d1) -> (0, 0)>
#map1 = affine_map<(d0, d1) -> (0)>
module attributes {stable_mosaic.version = 14 : i64} {
  func.func @hop_kernel(%arg0: i32, %arg1: i32, %arg2: memref<2x10240xf32, #tpu.memory_space<hbm>>, %arg3: memref<330240xi32, #tpu.memory_space<hbm>>, %arg4: memref<330240xi32, #tpu.memory_space<hbm>>, %arg5: memref<1x10240xf32, #tpu.memory_space<hbm>>, %arg6: memref<2x10240xf32, #tpu.memory_space<hbm>>, %arg7: memref<10320xi32, #tpu.memory_space<vmem>>, %arg8: memref<10320xi32, #tpu.memory_space<vmem>>, %arg9: memref<10240xf32, #tpu.memory_space<vmem>>, %arg10: memref<10240xf32, #tpu.memory_space<vmem>>, %arg11: memref<10240xf32, #tpu.memory_space<vmem>>, %arg12: memref<10240xf32, #tpu.memory_space<vmem>>, %arg13: memref<640xf32, #tpu.memory_space<vmem>>, %arg14: memref<640xf32, #tpu.memory_space<vmem>>, %arg15: memref<16x10240xf32, #tpu.memory_space<vmem_shared>>) attributes {dimension_semantics = [#tpu.dimension_semantics<core_parallel>, #tpu.dimension_semantics<subcore_parallel>], iteration_bounds = array<i64: 2, 16>, scalar_prefetch = 0 : i64, scratch_operands = 9 : i64, tpu.core_type = #tpu.core_type<sc_vector_subcore>, window_params = [{transform_indices = #map}, {transform_indices = #map1}, {transform_indices = #map1}, {transform_indices = #map}, {transform_indices = #map}]} {
    %mul3A = arith.constant 16 : i32
    %mul3A_0 = arith.muli %arg0, %mul3A : i32
    %add3A = arith.addi %mul3A_0, %arg1 : i32
    %mul3A_1 = arith.constant 10320 : i32
    %mul3A_2 = arith.muli %add3A, %mul3A_1 : i32
    "tpu.region"() ({
      %run_scoped3A_36 = tpu.sem_alloc : memref<!tpu.dma_semaphore, #tpu.memory_space<semaphore_mem>>
      %dma_start3A = tpu.memref_slice %arg3[%mul3A_2] : memref<330240xi32, #tpu.memory_space<hbm>> -> memref<10320xi32, #tpu.memory_space<hbm>>
      %dma_start3A_37 = tpu.memref_slice %arg3[%mul3A_2] : memref<330240xi32, #tpu.memory_space<hbm>> -> memref<10320xi32, #tpu.memory_space<hbm>>
      tpu.enqueue_dma source(%dma_start3A_37 : memref<10320xi32, #tpu.memory_space<hbm>>) target(%arg7 : memref<10320xi32, #tpu.memory_space<vmem>>) target_semaphore(%run_scoped3A_36 : memref<!tpu.dma_semaphore, #tpu.memory_space<semaphore_mem>>)
      %dma_wait3A = tpu.memref_slice %arg3[%mul3A_2] : memref<330240xi32, #tpu.memory_space<hbm>> -> memref<10320xi32, #tpu.memory_space<hbm>>
      %dma_wait3A_38 = tpu.memref_slice %arg3[%mul3A_2] : memref<330240xi32, #tpu.memory_space<hbm>> -> memref<10320xi32, #tpu.memory_space<hbm>>
      tpu.wait_dma2 semaphore(%run_scoped3A_36 : memref<!tpu.dma_semaphore, #tpu.memory_space<semaphore_mem>>) src(%dma_wait3A_38 : memref<10320xi32, #tpu.memory_space<hbm>>) dst(%arg7 : memref<10320xi32, #tpu.memory_space<vmem>>)
      tpu.yield
    }) : () -> ()
    "tpu.region"() ({
      %run_scoped3A_36 = tpu.sem_alloc : memref<!tpu.dma_semaphore, #tpu.memory_space<semaphore_mem>>
      %dma_start3A = tpu.memref_slice %arg4[%mul3A_2] : memref<330240xi32, #tpu.memory_space<hbm>> -> memref<10320xi32, #tpu.memory_space<hbm>>
      %dma_start3A_37 = tpu.memref_slice %arg4[%mul3A_2] : memref<330240xi32, #tpu.memory_space<hbm>> -> memref<10320xi32, #tpu.memory_space<hbm>>
      tpu.enqueue_dma source(%dma_start3A_37 : memref<10320xi32, #tpu.memory_space<hbm>>) target(%arg8 : memref<10320xi32, #tpu.memory_space<vmem>>) target_semaphore(%run_scoped3A_36 : memref<!tpu.dma_semaphore, #tpu.memory_space<semaphore_mem>>)
      %dma_wait3A = tpu.memref_slice %arg4[%mul3A_2] : memref<330240xi32, #tpu.memory_space<hbm>> -> memref<10320xi32, #tpu.memory_space<hbm>>
      %dma_wait3A_38 = tpu.memref_slice %arg4[%mul3A_2] : memref<330240xi32, #tpu.memory_space<hbm>> -> memref<10320xi32, #tpu.memory_space<hbm>>
      tpu.wait_dma2 semaphore(%run_scoped3A_36 : memref<!tpu.dma_semaphore, #tpu.memory_space<semaphore_mem>>) src(%dma_wait3A_38 : memref<10320xi32, #tpu.memory_space<hbm>>) dst(%arg8 : memref<10320xi32, #tpu.memory_space<vmem>>)
      tpu.yield
    }) : () -> ()
    %run_scoped3A = arith.constant 0 : i32
    "tpu.region"() ({
      %run_scoped3A_36 = tpu.sem_alloc : memref<!tpu.dma_semaphore, #tpu.memory_space<semaphore_mem>>
      %dma_start3A = arith.constant 0 : i32
      %dma_start3A_37 = tpu.memref_slice %arg5[%run_scoped3A, %dma_start3A] : memref<1x10240xf32, #tpu.memory_space<hbm>> -> memref<1x10240xf32, #tpu.memory_space<hbm>>
      %dma_start3A_38 = tpu.memref_squeeze %dma_start3A_37 : memref<1x10240xf32, #tpu.memory_space<hbm>> -> memref<10240xf32, #tpu.memory_space<hbm>>
      %dma_start3A_39 = arith.constant 0 : i32
      %dma_start3A_40 = tpu.memref_slice %arg5[%run_scoped3A, %dma_start3A_39] : memref<1x10240xf32, #tpu.memory_space<hbm>> -> memref<1x10240xf32, #tpu.memory_space<hbm>>
      %dma_start3A_41 = tpu.memref_squeeze %dma_start3A_40 : memref<1x10240xf32, #tpu.memory_space<hbm>> -> memref<10240xf32, #tpu.memory_space<hbm>>
      tpu.enqueue_dma source(%dma_start3A_41 : memref<10240xf32, #tpu.memory_space<hbm>>) target(%arg10 : memref<10240xf32, #tpu.memory_space<vmem>>) target_semaphore(%run_scoped3A_36 : memref<!tpu.dma_semaphore, #tpu.memory_space<semaphore_mem>>)
      %dma_wait3A = arith.constant 0 : i32
      %dma_wait3A_42 = tpu.memref_slice %arg5[%run_scoped3A, %dma_wait3A] : memref<1x10240xf32, #tpu.memory_space<hbm>> -> memref<1x10240xf32, #tpu.memory_space<hbm>>
      %dma_wait3A_43 = tpu.memref_squeeze %dma_wait3A_42 : memref<1x10240xf32, #tpu.memory_space<hbm>> -> memref<10240xf32, #tpu.memory_space<hbm>>
      %dma_wait3A_44 = arith.constant 0 : i32
      %dma_wait3A_45 = tpu.memref_slice %arg5[%run_scoped3A, %dma_wait3A_44] : memref<1x10240xf32, #tpu.memory_space<hbm>> -> memref<1x10240xf32, #tpu.memory_space<hbm>>
      %dma_wait3A_46 = tpu.memref_squeeze %dma_wait3A_45 : memref<1x10240xf32, #tpu.memory_space<hbm>> -> memref<10240xf32, #tpu.memory_space<hbm>>
      tpu.wait_dma2 semaphore(%run_scoped3A_36 : memref<!tpu.dma_semaphore, #tpu.memory_space<semaphore_mem>>) src(%dma_wait3A_46 : memref<10240xf32, #tpu.memory_space<hbm>>) dst(%arg10 : memref<10240xf32, #tpu.memory_space<vmem>>)
      tpu.yield
    }) : () -> ()
    %run_scoped3A_3 = arith.constant 0 : i32
    "tpu.region"() ({
      %run_scoped3A_36 = tpu.sem_alloc : memref<!tpu.dma_semaphore, #tpu.memory_space<semaphore_mem>>
      %dma_start3A = arith.constant 0 : i32
      %dma_start3A_37 = tpu.memref_slice %arg2[%run_scoped3A_3, %dma_start3A] : memref<2x10240xf32, #tpu.memory_space<hbm>> -> memref<1x10240xf32, #tpu.memory_space<hbm>>
      %dma_start3A_38 = tpu.memref_squeeze %dma_start3A_37 : memref<1x10240xf32, #tpu.memory_space<hbm>> -> memref<10240xf32, #tpu.memory_space<hbm>>
      %dma_start3A_39 = arith.constant 0 : i32
      %dma_start3A_40 = tpu.memref_slice %arg2[%run_scoped3A_3, %dma_start3A_39] : memref<2x10240xf32, #tpu.memory_space<hbm>> -> memref<1x10240xf32, #tpu.memory_space<hbm>>
      %dma_start3A_41 = tpu.memref_squeeze %dma_start3A_40 : memref<1x10240xf32, #tpu.memory_space<hbm>> -> memref<10240xf32, #tpu.memory_space<hbm>>
      tpu.enqueue_dma source(%dma_start3A_41 : memref<10240xf32, #tpu.memory_space<hbm>>) target(%arg9 : memref<10240xf32, #tpu.memory_space<vmem>>) target_semaphore(%run_scoped3A_36 : memref<!tpu.dma_semaphore, #tpu.memory_space<semaphore_mem>>)
      %dma_wait3A = arith.constant 0 : i32
      %dma_wait3A_42 = tpu.memref_slice %arg2[%run_scoped3A_3, %dma_wait3A] : memref<2x10240xf32, #tpu.memory_space<hbm>> -> memref<1x10240xf32, #tpu.memory_space<hbm>>
      %dma_wait3A_43 = tpu.memref_squeeze %dma_wait3A_42 : memref<1x10240xf32, #tpu.memory_space<hbm>> -> memref<10240xf32, #tpu.memory_space<hbm>>
      %dma_wait3A_44 = arith.constant 0 : i32
      %dma_wait3A_45 = tpu.memref_slice %arg2[%run_scoped3A_3, %dma_wait3A_44] : memref<2x10240xf32, #tpu.memory_space<hbm>> -> memref<1x10240xf32, #tpu.memory_space<hbm>>
      %dma_wait3A_46 = tpu.memref_squeeze %dma_wait3A_45 : memref<1x10240xf32, #tpu.memory_space<hbm>> -> memref<10240xf32, #tpu.memory_space<hbm>>
      tpu.wait_dma2 semaphore(%run_scoped3A_36 : memref<!tpu.dma_semaphore, #tpu.memory_space<semaphore_mem>>) src(%dma_wait3A_46 : memref<10240xf32, #tpu.memory_space<hbm>>) dst(%arg9 : memref<10240xf32, #tpu.memory_space<vmem>>)
      tpu.yield
    }) : () -> ()
    %run_scoped3A_4 = arith.constant 1 : i32
    "tpu.region"() ({
      %run_scoped3A_36 = tpu.sem_alloc : memref<!tpu.dma_semaphore, #tpu.memory_space<semaphore_mem>>
      %dma_start3A = arith.constant 0 : i32
      %dma_start3A_37 = tpu.memref_slice %arg2[%run_scoped3A_4, %dma_start3A] : memref<2x10240xf32, #tpu.memory_space<hbm>> -> memref<1x10240xf32, #tpu.memory_space<hbm>>
      %dma_start3A_38 = tpu.memref_squeeze %dma_start3A_37 : memref<1x10240xf32, #tpu.memory_space<hbm>> -> memref<10240xf32, #tpu.memory_space<hbm>>
      %dma_start3A_39 = arith.constant 0 : i32
      %dma_start3A_40 = tpu.memref_slice %arg2[%run_scoped3A_4, %dma_start3A_39] : memref<2x10240xf32, #tpu.memory_space<hbm>> -> memref<1x10240xf32, #tpu.memory_space<hbm>>
      %dma_start3A_41 = tpu.memref_squeeze %dma_start3A_40 : memref<1x10240xf32, #tpu.memory_space<hbm>> -> memref<10240xf32, #tpu.memory_space<hbm>>
      tpu.enqueue_dma source(%dma_start3A_41 : memref<10240xf32, #tpu.memory_space<hbm>>) target(%arg12 : memref<10240xf32, #tpu.memory_space<vmem>>) target_semaphore(%run_scoped3A_36 : memref<!tpu.dma_semaphore, #tpu.memory_space<semaphore_mem>>)
      %dma_wait3A = arith.constant 0 : i32
      %dma_wait3A_42 = tpu.memref_slice %arg2[%run_scoped3A_4, %dma_wait3A] : memref<2x10240xf32, #tpu.memory_space<hbm>> -> memref<1x10240xf32, #tpu.memory_space<hbm>>
      %dma_wait3A_43 = tpu.memref_squeeze %dma_wait3A_42 : memref<1x10240xf32, #tpu.memory_space<hbm>> -> memref<10240xf32, #tpu.memory_space<hbm>>
      %dma_wait3A_44 = arith.constant 0 : i32
      %dma_wait3A_45 = tpu.memref_slice %arg2[%run_scoped3A_4, %dma_wait3A_44] : memref<2x10240xf32, #tpu.memory_space<hbm>> -> memref<1x10240xf32, #tpu.memory_space<hbm>>
      %dma_wait3A_46 = tpu.memref_squeeze %dma_wait3A_45 : memref<1x10240xf32, #tpu.memory_space<hbm>> -> memref<10240xf32, #tpu.memory_space<hbm>>
      tpu.wait_dma2 semaphore(%run_scoped3A_36 : memref<!tpu.dma_semaphore, #tpu.memory_space<semaphore_mem>>) src(%dma_wait3A_46 : memref<10240xf32, #tpu.memory_space<hbm>>) dst(%arg12 : memref<10240xf32, #tpu.memory_space<vmem>>)
      tpu.yield
    }) : () -> ()
    %scan3A = arith.constant 0 : i32
    %scan3A_5 = arith.constant 0 : i32
    %scan3A_6 = arith.constant 640 : i32
    %scan3A_7 = arith.addi %scan3A_5, %scan3A_6 : i32
    %scan3A_8 = arith.constant 1 : i32
    %scan3A_9 = scf.for %scan3A_36 = %scan3A_5 to %scan3A_7 step %scan3A_8 iter_args(%scan3A_37 = %scan3A) -> (i32)  : i32 {
      %mul3A_38 = arith.constant 16 : i32
      %mul3A_39 = arith.muli %scan3A_36, %mul3A_38 : i32
      %get3A = arith.index_cast %mul3A_39 : i32 to index
      %get3A_40 = tpu.vector_load %arg9[%get3A] {strides = array<i32>} : memref<10240xf32, #tpu.memory_space<vmem>>, vector<16xf32>,
      %mul3A_41 = arith.constant 16 : i32
      %mul3A_42 = arith.muli %scan3A_36, %mul3A_41 : i32
      %get3A_43 = arith.index_cast %mul3A_42 : i32 to index
      %get3A_44 = tpu.vector_load %arg12[%get3A_43] {strides = array<i32>} : memref<10240xf32, #tpu.memory_space<vmem>>, vector<16xf32>,
      %add3A_45 = arith.addf %get3A_40, %get3A_44 : vector<16xf32>
      %mul3A_46 = arith.constant 16 : i32
      %mul3A_47 = arith.muli %scan3A_36, %mul3A_46 : i32
      %swap3A = arith.index_cast %mul3A_47 : i32 to index
      %swap3A_48 = tpu.vector_load %arg9[%swap3A] {strides = array<i32>} : memref<10240xf32, #tpu.memory_space<vmem>>, vector<16xf32>,
      tpu.vector_store %arg9[%swap3A], %add3A_45 {strides = array<i32>} : memref<10240xf32, #tpu.memory_space<vmem>>, vector<16xf32>,
      %scan3A_49 = arith.constant 0 : i32
      scf.yield %scan3A_49 : i32
    }
    %scan3A_10 = arith.constant 640 : i32
    %broadcast_in_dim3A = arith.constant 0.000000e+00 : f32
    %broadcast_in_dim3A_11 = vector.broadcast %broadcast_in_dim3A : f32 to vector<16xf32>
    %scan3A_12 = arith.constant 0 : i32
    %scan3A_13 = arith.constant 0 : i32
    %scan3A_14 = arith.constant 640 : i32
    %scan3A_15 = arith.addi %scan3A_13, %scan3A_14 : i32
    %scan3A_16 = arith.constant 1 : i32
    %scan3A_17 = scf.for %scan3A_36 = %scan3A_13 to %scan3A_15 step %scan3A_16 iter_args(%scan3A_37 = %scan3A_12) -> (i32)  : i32 {
      %mul3A_38 = arith.constant 16 : i32
      %mul3A_39 = arith.muli %scan3A_36, %mul3A_38 : i32
      %swap3A = arith.index_cast %mul3A_39 : i32 to index
      %swap3A_40 = tpu.vector_load %arg11[%swap3A] {strides = array<i32>} : memref<10240xf32, #tpu.memory_space<vmem>>, vector<16xf32>,
      tpu.vector_store %arg11[%swap3A], %broadcast_in_dim3A_11 {strides = array<i32>} : memref<10240xf32, #tpu.memory_space<vmem>>, vector<16xf32>,
      %scan3A_41 = arith.constant 0 : i32
      scf.yield %scan3A_41 : i32
    }
    %scan3A_18 = arith.constant 640 : i32
    %scan3A_19 = arith.constant 0 : i32
    %scan3A_20 = arith.constant 0 : i32
    %scan3A_21 = arith.constant 645 : i32
    %scan3A_22 = arith.addi %scan3A_20, %scan3A_21 : i32
    %scan3A_23 = arith.constant 1 : i32
    %scan3A_24 = scf.for %scan3A_36 = %scan3A_20 to %scan3A_22 step %scan3A_23 iter_args(%scan3A_37 = %scan3A_19) -> (i32)  : i32 {
      %mul3A_38 = arith.constant 16 : i32
      %mul3A_39 = arith.muli %scan3A_36, %mul3A_38 : i32
      %get3A = arith.index_cast %mul3A_39 : i32 to index
      %get3A_40 = tpu.vector_load %arg7[%get3A] {strides = array<i32>} : memref<10320xi32, #tpu.memory_space<vmem>>, vector<16xi32>,
      %mul3A_41 = arith.constant 16 : i32
      %mul3A_42 = arith.muli %scan3A_36, %mul3A_41 : i32
      %get3A_43 = arith.index_cast %mul3A_42 : i32 to index
      %get3A_44 = tpu.vector_load %arg8[%get3A_43] {strides = array<i32>} : memref<10320xi32, #tpu.memory_space<vmem>>, vector<16xi32>,
      %gather3A = tpu.vector_load_idx %arg10[%get3A_40] : memref<10240xf32, #tpu.memory_space<vmem>>[vector<16xi32>], vector<16xf32>,
      %gather3A_45 = tpu.vector_load_idx %arg10[%get3A_44] : memref<10240xf32, #tpu.memory_space<vmem>>[vector<16xi32>], vector<16xf32>,
      %gather3A_46 = tpu.vector_load_idx %arg9[%get3A_40] : memref<10240xf32, #tpu.memory_space<vmem>>[vector<16xi32>], vector<16xf32>,
      %mul3A_47 = arith.mulf %gather3A, %gather3A_45 : vector<16xf32>
      %mul3A_48 = arith.mulf %mul3A_47, %gather3A_46 : vector<16xf32>
      tpu.vector_store_idx %arg11[%get3A_44], %mul3A_48 {add = true} : memref<10240xf32, #tpu.memory_space<vmem>>[vector<16xi32>], vector<16xf32>,
      %scan3A_49 = arith.constant 0 : i32
      scf.yield %scan3A_49 : i32
    }
    %scan3A_25 = arith.constant 645 : i32
    "tpu.region"() ({
      %run_scoped3A_36 = tpu.sem_alloc : memref<!tpu.dma_semaphore, #tpu.memory_space<semaphore_mem>>
      %dma_start3A = arith.constant 0 : i32
      %dma_start3A_37 = tpu.memref_slice %arg15[%arg1, %dma_start3A] : memref<16x10240xf32, #tpu.memory_space<vmem_shared>> -> memref<1x10240xf32, #tpu.memory_space<vmem_shared>>
      %dma_start3A_38 = tpu.memref_squeeze %dma_start3A_37 : memref<1x10240xf32, #tpu.memory_space<vmem_shared>> -> memref<10240xf32, #tpu.memory_space<vmem_shared>>
      %dma_start3A_39 = arith.constant 0 : i32
      %dma_start3A_40 = tpu.memref_slice %arg15[%arg1, %dma_start3A_39] : memref<16x10240xf32, #tpu.memory_space<vmem_shared>> -> memref<1x10240xf32, #tpu.memory_space<vmem_shared>>
      %dma_start3A_41 = tpu.memref_squeeze %dma_start3A_40 : memref<1x10240xf32, #tpu.memory_space<vmem_shared>> -> memref<10240xf32, #tpu.memory_space<vmem_shared>>
      tpu.enqueue_dma source(%arg11 : memref<10240xf32, #tpu.memory_space<vmem>>) target(%dma_start3A_41 : memref<10240xf32, #tpu.memory_space<vmem_shared>>) target_semaphore(%run_scoped3A_36 : memref<!tpu.dma_semaphore, #tpu.memory_space<semaphore_mem>>)
      %dma_wait3A = arith.constant 0 : i32
      %dma_wait3A_42 = tpu.memref_slice %arg15[%arg1, %dma_wait3A] : memref<16x10240xf32, #tpu.memory_space<vmem_shared>> -> memref<1x10240xf32, #tpu.memory_space<vmem_shared>>
      %dma_wait3A_43 = tpu.memref_squeeze %dma_wait3A_42 : memref<1x10240xf32, #tpu.memory_space<vmem_shared>> -> memref<10240xf32, #tpu.memory_space<vmem_shared>>
      %dma_wait3A_44 = arith.constant 0 : i32
      %dma_wait3A_45 = tpu.memref_slice %arg15[%arg1, %dma_wait3A_44] : memref<16x10240xf32, #tpu.memory_space<vmem_shared>> -> memref<1x10240xf32, #tpu.memory_space<vmem_shared>>
      %dma_wait3A_46 = tpu.memref_squeeze %dma_wait3A_45 : memref<1x10240xf32, #tpu.memory_space<vmem_shared>> -> memref<10240xf32, #tpu.memory_space<vmem_shared>>
      tpu.wait_dma2 semaphore(%run_scoped3A_36 : memref<!tpu.dma_semaphore, #tpu.memory_space<semaphore_mem>>) src(%arg11 : memref<10240xf32, #tpu.memory_space<vmem>>) dst(%dma_wait3A_46 : memref<10240xf32, #tpu.memory_space<vmem_shared>>)
      tpu.yield
    }) : () -> ()
    %barrier3A = arith.constant 0 : index
    tpu.barrier barrier_id(%barrier3A)
    %mul3A_26 = arith.constant 640 : i32
    %mul3A_27 = arith.muli %arg1, %mul3A_26 : i32
    %run_scoped3A_28 = arith.constant 0 : i32
    "tpu.region"() ({
      %run_scoped3A_36 = tpu.sem_alloc : memref<!tpu.dma_semaphore, #tpu.memory_space<semaphore_mem>>
      %dma_start3A = tpu.memref_slice %arg15[%run_scoped3A_28, %mul3A_27] : memref<16x10240xf32, #tpu.memory_space<vmem_shared>> -> memref<1x640xf32, #tpu.memory_space<vmem_shared>>
      %dma_start3A_37 = tpu.memref_squeeze %dma_start3A : memref<1x640xf32, #tpu.memory_space<vmem_shared>> -> memref<640xf32, #tpu.memory_space<vmem_shared>>
      %dma_start3A_38 = tpu.memref_slice %arg15[%run_scoped3A_28, %mul3A_27] : memref<16x10240xf32, #tpu.memory_space<vmem_shared>> -> memref<1x640xf32, #tpu.memory_space<vmem_shared>>
      %dma_start3A_39 = tpu.memref_squeeze %dma_start3A_38 : memref<1x640xf32, #tpu.memory_space<vmem_shared>> -> memref<640xf32, #tpu.memory_space<vmem_shared>>
      tpu.enqueue_dma source(%dma_start3A_39 : memref<640xf32, #tpu.memory_space<vmem_shared>>) target(%arg13 : memref<640xf32, #tpu.memory_space<vmem>>) target_semaphore(%run_scoped3A_36 : memref<!tpu.dma_semaphore, #tpu.memory_space<semaphore_mem>>)
      %dma_wait3A = tpu.memref_slice %arg15[%run_scoped3A_28, %mul3A_27] : memref<16x10240xf32, #tpu.memory_space<vmem_shared>> -> memref<1x640xf32, #tpu.memory_space<vmem_shared>>
      %dma_wait3A_40 = tpu.memref_squeeze %dma_wait3A : memref<1x640xf32, #tpu.memory_space<vmem_shared>> -> memref<640xf32, #tpu.memory_space<vmem_shared>>
      %dma_wait3A_41 = tpu.memref_slice %arg15[%run_scoped3A_28, %mul3A_27] : memref<16x10240xf32, #tpu.memory_space<vmem_shared>> -> memref<1x640xf32, #tpu.memory_space<vmem_shared>>
      %dma_wait3A_42 = tpu.memref_squeeze %dma_wait3A_41 : memref<1x640xf32, #tpu.memory_space<vmem_shared>> -> memref<640xf32, #tpu.memory_space<vmem_shared>>
      tpu.wait_dma2 semaphore(%run_scoped3A_36 : memref<!tpu.dma_semaphore, #tpu.memory_space<semaphore_mem>>) src(%dma_wait3A_42 : memref<640xf32, #tpu.memory_space<vmem_shared>>) dst(%arg13 : memref<640xf32, #tpu.memory_space<vmem>>)
      tpu.yield
    }) : () -> ()
    %scan3A_29 = arith.constant 0 : i32
    %scan3A_30 = arith.constant 1 : i32
    %scan3A_31 = arith.constant 15 : i32
    %scan3A_32 = arith.addi %scan3A_30, %scan3A_31 : i32
    %scan3A_33 = arith.constant 1 : i32
    %scan3A_34 = scf.for %scan3A_36 = %scan3A_30 to %scan3A_32 step %scan3A_33 iter_args(%scan3A_37 = %scan3A_29) -> (i32)  : i32 {
      "tpu.region"() ({
        %run_scoped3A_46 = tpu.sem_alloc : memref<!tpu.dma_semaphore, #tpu.memory_space<semaphore_mem>>
        %dma_start3A = tpu.memref_slice %arg15[%scan3A_36, %mul3A_27] : memref<16x10240xf32, #tpu.memory_space<vmem_shared>> -> memref<1x640xf32, #tpu.memory_space<vmem_shared>>
        %dma_start3A_47 = tpu.memref_squeeze %dma_start3A : memref<1x640xf32, #tpu.memory_space<vmem_shared>> -> memref<640xf32, #tpu.memory_space<vmem_shared>>
        %dma_start3A_48 = tpu.memref_slice %arg15[%scan3A_36, %mul3A_27] : memref<16x10240xf32, #tpu.memory_space<vmem_shared>> -> memref<1x640xf32, #tpu.memory_space<vmem_shared>>
        %dma_start3A_49 = tpu.memref_squeeze %dma_start3A_48 : memref<1x640xf32, #tpu.memory_space<vmem_shared>> -> memref<640xf32, #tpu.memory_space<vmem_shared>>
        tpu.enqueue_dma source(%dma_start3A_49 : memref<640xf32, #tpu.memory_space<vmem_shared>>) target(%arg14 : memref<640xf32, #tpu.memory_space<vmem>>) target_semaphore(%run_scoped3A_46 : memref<!tpu.dma_semaphore, #tpu.memory_space<semaphore_mem>>)
        %dma_wait3A = tpu.memref_slice %arg15[%scan3A_36, %mul3A_27] : memref<16x10240xf32, #tpu.memory_space<vmem_shared>> -> memref<1x640xf32, #tpu.memory_space<vmem_shared>>
        %dma_wait3A_50 = tpu.memref_squeeze %dma_wait3A : memref<1x640xf32, #tpu.memory_space<vmem_shared>> -> memref<640xf32, #tpu.memory_space<vmem_shared>>
        %dma_wait3A_51 = tpu.memref_slice %arg15[%scan3A_36, %mul3A_27] : memref<16x10240xf32, #tpu.memory_space<vmem_shared>> -> memref<1x640xf32, #tpu.memory_space<vmem_shared>>
        %dma_wait3A_52 = tpu.memref_squeeze %dma_wait3A_51 : memref<1x640xf32, #tpu.memory_space<vmem_shared>> -> memref<640xf32, #tpu.memory_space<vmem_shared>>
        tpu.wait_dma2 semaphore(%run_scoped3A_46 : memref<!tpu.dma_semaphore, #tpu.memory_space<semaphore_mem>>) src(%dma_wait3A_52 : memref<640xf32, #tpu.memory_space<vmem_shared>>) dst(%arg14 : memref<640xf32, #tpu.memory_space<vmem>>)
        tpu.yield
      }) : () -> ()
      %scan3A_38 = arith.constant 0 : i32
      %scan3A_39 = arith.constant 0 : i32
      %scan3A_40 = arith.constant 40 : i32
      %scan3A_41 = arith.addi %scan3A_39, %scan3A_40 : i32
      %scan3A_42 = arith.constant 1 : i32
      %scan3A_43 = scf.for %scan3A_46 = %scan3A_39 to %scan3A_41 step %scan3A_42 iter_args(%scan3A_47 = %scan3A_38) -> (i32)  : i32 {
        %mul3A_48 = arith.constant 16 : i32
        %mul3A_49 = arith.muli %scan3A_46, %mul3A_48 : i32
        %get3A = arith.index_cast %mul3A_49 : i32 to index
        %get3A_50 = tpu.vector_load %arg13[%get3A] {strides = array<i32>} : memref<640xf32, #tpu.memory_space<vmem>>, vector<16xf32>,
        %mul3A_51 = arith.constant 16 : i32
        %mul3A_52 = arith.muli %scan3A_46, %mul3A_51 : i32
        %get3A_53 = arith.index_cast %mul3A_52 : i32 to index
        %get3A_54 = tpu.vector_load %arg14[%get3A_53] {strides = array<i32>} : memref<640xf32, #tpu.memory_space<vmem>>, vector<16xf32>,
        %add3A_55 = arith.addf %get3A_50, %get3A_54 : vector<16xf32>
        %mul3A_56 = arith.constant 16 : i32
        %mul3A_57 = arith.muli %scan3A_46, %mul3A_56 : i32
        %swap3A = arith.index_cast %mul3A_57 : i32 to index
        %swap3A_58 = tpu.vector_load %arg13[%swap3A] {strides = array<i32>} : memref<640xf32, #tpu.memory_space<vmem>>, vector<16xf32>,
        tpu.vector_store %arg13[%swap3A], %add3A_55 {strides = array<i32>} : memref<640xf32, #tpu.memory_space<vmem>>, vector<16xf32>,
        %scan3A_59 = arith.constant 0 : i32
        scf.yield %scan3A_59 : i32
      }
      %scan3A_44 = arith.constant 40 : i32
      %scan3A_45 = arith.constant 0 : i32
      scf.yield %scan3A_45 : i32
    }
    %scan3A_35 = arith.constant 15 : i32
    "tpu.region"() ({
      %run_scoped3A_36 = tpu.sem_alloc : memref<!tpu.dma_semaphore, #tpu.memory_space<semaphore_mem>>
      %dma_start3A = tpu.memref_slice %arg6[%arg0, %mul3A_27] : memref<2x10240xf32, #tpu.memory_space<hbm>> -> memref<1x640xf32, #tpu.memory_space<hbm>>
      %dma_start3A_37 = tpu.memref_squeeze %dma_start3A : memref<1x640xf32, #tpu.memory_space<hbm>> -> memref<640xf32, #tpu.memory_space<hbm>>
      %dma_start3A_38 = tpu.memref_slice %arg6[%arg0, %mul3A_27] : memref<2x10240xf32, #tpu.memory_space<hbm>> -> memref<1x640xf32, #tpu.memory_space<hbm>>
      %dma_start3A_39 = tpu.memref_squeeze %dma_start3A_38 : memref<1x640xf32, #tpu.memory_space<hbm>> -> memref<640xf32, #tpu.memory_space<hbm>>
      tpu.enqueue_dma source(%arg13 : memref<640xf32, #tpu.memory_space<vmem>>) target(%dma_start3A_39 : memref<640xf32, #tpu.memory_space<hbm>>) target_semaphore(%run_scoped3A_36 : memref<!tpu.dma_semaphore, #tpu.memory_space<semaphore_mem>>)
      %dma_wait3A = tpu.memref_slice %arg6[%arg0, %mul3A_27] : memref<2x10240xf32, #tpu.memory_space<hbm>> -> memref<1x640xf32, #tpu.memory_space<hbm>>
      %dma_wait3A_40 = tpu.memref_squeeze %dma_wait3A : memref<1x640xf32, #tpu.memory_space<hbm>> -> memref<640xf32, #tpu.memory_space<hbm>>
      %dma_wait3A_41 = tpu.memref_slice %arg6[%arg0, %mul3A_27] : memref<2x10240xf32, #tpu.memory_space<hbm>> -> memref<1x640xf32, #tpu.memory_space<hbm>>
      %dma_wait3A_42 = tpu.memref_squeeze %dma_wait3A_41 : memref<1x640xf32, #tpu.memory_space<hbm>> -> memref<640xf32, #tpu.memory_space<hbm>>
      tpu.wait_dma2 semaphore(%run_scoped3A_36 : memref<!tpu.dma_semaphore, #tpu.memory_space<semaphore_mem>>) src(%arg13 : memref<640xf32, #tpu.memory_space<vmem>>) dst(%dma_wait3A_42 : memref<640xf32, #tpu.memory_space<hbm>>)
      tpu.yield
    }) : () -> ()
    return
  }
}

#map = affine_map<(d0, d1) -> (0)>
#map1 = affine_map<(d0, d1) -> (0, 0)>
module attributes {stable_mosaic.version = 14 : i64} {
  func.func @_deg_kernel(%arg0: i32, %arg1: i32, %arg2: memref<330240xi32, #tpu.memory_space<hbm>>, %arg3: memref<2x10240xf32, #tpu.memory_space<hbm>>, %arg4: memref<10320xi32, #tpu.memory_space<vmem>>, %arg5: memref<10240xf32, #tpu.memory_space<vmem>>, %arg6: memref<640xf32, #tpu.memory_space<vmem>>, %arg7: memref<640xf32, #tpu.memory_space<vmem>>, %arg8: memref<16x10240xf32, #tpu.memory_space<vmem_shared>>) attributes {dimension_semantics = [#tpu.dimension_semantics<core_parallel>, #tpu.dimension_semantics<subcore_parallel>], iteration_bounds = array<i64: 2, 16>, scalar_prefetch = 0 : i64, scratch_operands = 5 : i64, tpu.core_type = #tpu.core_type<sc_vector_subcore>, window_params = [{transform_indices = #map}, {transform_indices = #map1}]} {
    %mul3A = arith.constant 16 : i32
    %mul3A_0 = arith.muli %arg0, %mul3A : i32
    %add3A = arith.addi %mul3A_0, %arg1 : i32
    %mul3A_1 = arith.constant 10320 : i32
    %mul3A_2 = arith.muli %add3A, %mul3A_1 : i32
    "tpu.region"() ({
      %run_scoped3A_28 = tpu.sem_alloc : memref<!tpu.dma_semaphore, #tpu.memory_space<semaphore_mem>>
      %dma_start3A = tpu.memref_slice %arg2[%mul3A_2] : memref<330240xi32, #tpu.memory_space<hbm>> -> memref<10320xi32, #tpu.memory_space<hbm>>
      %dma_start3A_29 = tpu.memref_slice %arg2[%mul3A_2] : memref<330240xi32, #tpu.memory_space<hbm>> -> memref<10320xi32, #tpu.memory_space<hbm>>
      tpu.enqueue_dma source(%dma_start3A_29 : memref<10320xi32, #tpu.memory_space<hbm>>) target(%arg4 : memref<10320xi32, #tpu.memory_space<vmem>>) target_semaphore(%run_scoped3A_28 : memref<!tpu.dma_semaphore, #tpu.memory_space<semaphore_mem>>)
      %dma_wait3A = tpu.memref_slice %arg2[%mul3A_2] : memref<330240xi32, #tpu.memory_space<hbm>> -> memref<10320xi32, #tpu.memory_space<hbm>>
      %dma_wait3A_30 = tpu.memref_slice %arg2[%mul3A_2] : memref<330240xi32, #tpu.memory_space<hbm>> -> memref<10320xi32, #tpu.memory_space<hbm>>
      tpu.wait_dma2 semaphore(%run_scoped3A_28 : memref<!tpu.dma_semaphore, #tpu.memory_space<semaphore_mem>>) src(%dma_wait3A_30 : memref<10320xi32, #tpu.memory_space<hbm>>) dst(%arg4 : memref<10320xi32, #tpu.memory_space<vmem>>)
      tpu.yield
    }) : () -> ()
    %broadcast_in_dim3A = arith.constant 0.000000e+00 : f32
    %broadcast_in_dim3A_3 = vector.broadcast %broadcast_in_dim3A : f32 to vector<16xf32>
    %scan3A = arith.constant 0 : i32
    %scan3A_4 = arith.constant 0 : i32
    %scan3A_5 = arith.constant 640 : i32
    %scan3A_6 = arith.addi %scan3A_4, %scan3A_5 : i32
    %scan3A_7 = arith.constant 1 : i32
    %scan3A_8 = scf.for %scan3A_28 = %scan3A_4 to %scan3A_6 step %scan3A_7 iter_args(%scan3A_29 = %scan3A) -> (i32)  : i32 {
      %mul3A_30 = arith.constant 16 : i32
      %mul3A_31 = arith.muli %scan3A_28, %mul3A_30 : i32
      %swap3A = arith.index_cast %mul3A_31 : i32 to index
      %swap3A_32 = tpu.vector_load %arg5[%swap3A] {strides = array<i32>} : memref<10240xf32, #tpu.memory_space<vmem>>, vector<16xf32>,
      tpu.vector_store %arg5[%swap3A], %broadcast_in_dim3A_3 {strides = array<i32>} : memref<10240xf32, #tpu.memory_space<vmem>>, vector<16xf32>,
      %scan3A_33 = arith.constant 0 : i32
      scf.yield %scan3A_33 : i32
    }
    %scan3A_9 = arith.constant 640 : i32
    %broadcast_in_dim3A_10 = arith.constant 1.000000e+00 : f32
    %broadcast_in_dim3A_11 = vector.broadcast %broadcast_in_dim3A_10 : f32 to vector<16xf32>
    %scan3A_12 = arith.constant 0 : i32
    %scan3A_13 = arith.constant 0 : i32
    %scan3A_14 = arith.constant 645 : i32
    %scan3A_15 = arith.addi %scan3A_13, %scan3A_14 : i32
    %scan3A_16 = arith.constant 1 : i32
    %scan3A_17 = scf.for %scan3A_28 = %scan3A_13 to %scan3A_15 step %scan3A_16 iter_args(%scan3A_29 = %scan3A_12) -> (i32)  : i32 {
      %mul3A_30 = arith.constant 16 : i32
      %mul3A_31 = arith.muli %scan3A_28, %mul3A_30 : i32
      %get3A = arith.index_cast %mul3A_31 : i32 to index
      %get3A_32 = tpu.vector_load %arg4[%get3A] {strides = array<i32>} : memref<10320xi32, #tpu.memory_space<vmem>>, vector<16xi32>,
      tpu.vector_store_idx %arg5[%get3A_32], %broadcast_in_dim3A_11 {add = true} : memref<10240xf32, #tpu.memory_space<vmem>>[vector<16xi32>], vector<16xf32>,
      %scan3A_33 = arith.constant 0 : i32
      scf.yield %scan3A_33 : i32
    }
    %scan3A_18 = arith.constant 645 : i32
    "tpu.region"() ({
      %run_scoped3A_28 = tpu.sem_alloc : memref<!tpu.dma_semaphore, #tpu.memory_space<semaphore_mem>>
      %dma_start3A = arith.constant 0 : i32
      %dma_start3A_29 = tpu.memref_slice %arg8[%arg1, %dma_start3A] : memref<16x10240xf32, #tpu.memory_space<vmem_shared>> -> memref<1x10240xf32, #tpu.memory_space<vmem_shared>>
      %dma_start3A_30 = tpu.memref_squeeze %dma_start3A_29 : memref<1x10240xf32, #tpu.memory_space<vmem_shared>> -> memref<10240xf32, #tpu.memory_space<vmem_shared>>
      %dma_start3A_31 = arith.constant 0 : i32
      %dma_start3A_32 = tpu.memref_slice %arg8[%arg1, %dma_start3A_31] : memref<16x10240xf32, #tpu.memory_space<vmem_shared>> -> memref<1x10240xf32, #tpu.memory_space<vmem_shared>>
      %dma_start3A_33 = tpu.memref_squeeze %dma_start3A_32 : memref<1x10240xf32, #tpu.memory_space<vmem_shared>> -> memref<10240xf32, #tpu.memory_space<vmem_shared>>
      tpu.enqueue_dma source(%arg5 : memref<10240xf32, #tpu.memory_space<vmem>>) target(%dma_start3A_33 : memref<10240xf32, #tpu.memory_space<vmem_shared>>) target_semaphore(%run_scoped3A_28 : memref<!tpu.dma_semaphore, #tpu.memory_space<semaphore_mem>>)
      %dma_wait3A = arith.constant 0 : i32
      %dma_wait3A_34 = tpu.memref_slice %arg8[%arg1, %dma_wait3A] : memref<16x10240xf32, #tpu.memory_space<vmem_shared>> -> memref<1x10240xf32, #tpu.memory_space<vmem_shared>>
      %dma_wait3A_35 = tpu.memref_squeeze %dma_wait3A_34 : memref<1x10240xf32, #tpu.memory_space<vmem_shared>> -> memref<10240xf32, #tpu.memory_space<vmem_shared>>
      %dma_wait3A_36 = arith.constant 0 : i32
      %dma_wait3A_37 = tpu.memref_slice %arg8[%arg1, %dma_wait3A_36] : memref<16x10240xf32, #tpu.memory_space<vmem_shared>> -> memref<1x10240xf32, #tpu.memory_space<vmem_shared>>
      %dma_wait3A_38 = tpu.memref_squeeze %dma_wait3A_37 : memref<1x10240xf32, #tpu.memory_space<vmem_shared>> -> memref<10240xf32, #tpu.memory_space<vmem_shared>>
      tpu.wait_dma2 semaphore(%run_scoped3A_28 : memref<!tpu.dma_semaphore, #tpu.memory_space<semaphore_mem>>) src(%arg5 : memref<10240xf32, #tpu.memory_space<vmem>>) dst(%dma_wait3A_38 : memref<10240xf32, #tpu.memory_space<vmem_shared>>)
      tpu.yield
    }) : () -> ()
    %barrier3A = arith.constant 0 : index
    tpu.barrier barrier_id(%barrier3A)
    %mul3A_19 = arith.constant 640 : i32
    %mul3A_20 = arith.muli %arg1, %mul3A_19 : i32
    %run_scoped3A = arith.constant 0 : i32
    "tpu.region"() ({
      %run_scoped3A_28 = tpu.sem_alloc : memref<!tpu.dma_semaphore, #tpu.memory_space<semaphore_mem>>
      %dma_start3A = tpu.memref_slice %arg8[%run_scoped3A, %mul3A_20] : memref<16x10240xf32, #tpu.memory_space<vmem_shared>> -> memref<1x640xf32, #tpu.memory_space<vmem_shared>>
      %dma_start3A_29 = tpu.memref_squeeze %dma_start3A : memref<1x640xf32, #tpu.memory_space<vmem_shared>> -> memref<640xf32, #tpu.memory_space<vmem_shared>>
      %dma_start3A_30 = tpu.memref_slice %arg8[%run_scoped3A, %mul3A_20] : memref<16x10240xf32, #tpu.memory_space<vmem_shared>> -> memref<1x640xf32, #tpu.memory_space<vmem_shared>>
      %dma_start3A_31 = tpu.memref_squeeze %dma_start3A_30 : memref<1x640xf32, #tpu.memory_space<vmem_shared>> -> memref<640xf32, #tpu.memory_space<vmem_shared>>
      tpu.enqueue_dma source(%dma_start3A_31 : memref<640xf32, #tpu.memory_space<vmem_shared>>) target(%arg6 : memref<640xf32, #tpu.memory_space<vmem>>) target_semaphore(%run_scoped3A_28 : memref<!tpu.dma_semaphore, #tpu.memory_space<semaphore_mem>>)
      %dma_wait3A = tpu.memref_slice %arg8[%run_scoped3A, %mul3A_20] : memref<16x10240xf32, #tpu.memory_space<vmem_shared>> -> memref<1x640xf32, #tpu.memory_space<vmem_shared>>
      %dma_wait3A_32 = tpu.memref_squeeze %dma_wait3A : memref<1x640xf32, #tpu.memory_space<vmem_shared>> -> memref<640xf32, #tpu.memory_space<vmem_shared>>
      %dma_wait3A_33 = tpu.memref_slice %arg8[%run_scoped3A, %mul3A_20] : memref<16x10240xf32, #tpu.memory_space<vmem_shared>> -> memref<1x640xf32, #tpu.memory_space<vmem_shared>>
      %dma_wait3A_34 = tpu.memref_squeeze %dma_wait3A_33 : memref<1x640xf32, #tpu.memory_space<vmem_shared>> -> memref<640xf32, #tpu.memory_space<vmem_shared>>
      tpu.wait_dma2 semaphore(%run_scoped3A_28 : memref<!tpu.dma_semaphore, #tpu.memory_space<semaphore_mem>>) src(%dma_wait3A_34 : memref<640xf32, #tpu.memory_space<vmem_shared>>) dst(%arg6 : memref<640xf32, #tpu.memory_space<vmem>>)
      tpu.yield
    }) : () -> ()
    %scan3A_21 = arith.constant 0 : i32
    %scan3A_22 = arith.constant 1 : i32
    %scan3A_23 = arith.constant 15 : i32
    %scan3A_24 = arith.addi %scan3A_22, %scan3A_23 : i32
    %scan3A_25 = arith.constant 1 : i32
    %scan3A_26 = scf.for %scan3A_28 = %scan3A_22 to %scan3A_24 step %scan3A_25 iter_args(%scan3A_29 = %scan3A_21) -> (i32)  : i32 {
      "tpu.region"() ({
        %run_scoped3A_38 = tpu.sem_alloc : memref<!tpu.dma_semaphore, #tpu.memory_space<semaphore_mem>>
        %dma_start3A = tpu.memref_slice %arg8[%scan3A_28, %mul3A_20] : memref<16x10240xf32, #tpu.memory_space<vmem_shared>> -> memref<1x640xf32, #tpu.memory_space<vmem_shared>>
        %dma_start3A_39 = tpu.memref_squeeze %dma_start3A : memref<1x640xf32, #tpu.memory_space<vmem_shared>> -> memref<640xf32, #tpu.memory_space<vmem_shared>>
        %dma_start3A_40 = tpu.memref_slice %arg8[%scan3A_28, %mul3A_20] : memref<16x10240xf32, #tpu.memory_space<vmem_shared>> -> memref<1x640xf32, #tpu.memory_space<vmem_shared>>
        %dma_start3A_41 = tpu.memref_squeeze %dma_start3A_40 : memref<1x640xf32, #tpu.memory_space<vmem_shared>> -> memref<640xf32, #tpu.memory_space<vmem_shared>>
        tpu.enqueue_dma source(%dma_start3A_41 : memref<640xf32, #tpu.memory_space<vmem_shared>>) target(%arg7 : memref<640xf32, #tpu.memory_space<vmem>>) target_semaphore(%run_scoped3A_38 : memref<!tpu.dma_semaphore, #tpu.memory_space<semaphore_mem>>)
        %dma_wait3A = tpu.memref_slice %arg8[%scan3A_28, %mul3A_20] : memref<16x10240xf32, #tpu.memory_space<vmem_shared>> -> memref<1x640xf32, #tpu.memory_space<vmem_shared>>
        %dma_wait3A_42 = tpu.memref_squeeze %dma_wait3A : memref<1x640xf32, #tpu.memory_space<vmem_shared>> -> memref<640xf32, #tpu.memory_space<vmem_shared>>
        %dma_wait3A_43 = tpu.memref_slice %arg8[%scan3A_28, %mul3A_20] : memref<16x10240xf32, #tpu.memory_space<vmem_shared>> -> memref<1x640xf32, #tpu.memory_space<vmem_shared>>
        %dma_wait3A_44 = tpu.memref_squeeze %dma_wait3A_43 : memref<1x640xf32, #tpu.memory_space<vmem_shared>> -> memref<640xf32, #tpu.memory_space<vmem_shared>>
        tpu.wait_dma2 semaphore(%run_scoped3A_38 : memref<!tpu.dma_semaphore, #tpu.memory_space<semaphore_mem>>) src(%dma_wait3A_44 : memref<640xf32, #tpu.memory_space<vmem_shared>>) dst(%arg7 : memref<640xf32, #tpu.memory_space<vmem>>)
        tpu.yield
      }) : () -> ()
      %scan3A_30 = arith.constant 0 : i32
      %scan3A_31 = arith.constant 0 : i32
      %scan3A_32 = arith.constant 40 : i32
      %scan3A_33 = arith.addi %scan3A_31, %scan3A_32 : i32
      %scan3A_34 = arith.constant 1 : i32
      %scan3A_35 = scf.for %scan3A_38 = %scan3A_31 to %scan3A_33 step %scan3A_34 iter_args(%scan3A_39 = %scan3A_30) -> (i32)  : i32 {
        %mul3A_40 = arith.constant 16 : i32
        %mul3A_41 = arith.muli %scan3A_38, %mul3A_40 : i32
        %get3A = arith.index_cast %mul3A_41 : i32 to index
        %get3A_42 = tpu.vector_load %arg6[%get3A] {strides = array<i32>} : memref<640xf32, #tpu.memory_space<vmem>>, vector<16xf32>,
        %mul3A_43 = arith.constant 16 : i32
        %mul3A_44 = arith.muli %scan3A_38, %mul3A_43 : i32
        %get3A_45 = arith.index_cast %mul3A_44 : i32 to index
        %get3A_46 = tpu.vector_load %arg7[%get3A_45] {strides = array<i32>} : memref<640xf32, #tpu.memory_space<vmem>>, vector<16xf32>,
        %add3A_47 = arith.addf %get3A_42, %get3A_46 : vector<16xf32>
        %mul3A_48 = arith.constant 16 : i32
        %mul3A_49 = arith.muli %scan3A_38, %mul3A_48 : i32
        %swap3A = arith.index_cast %mul3A_49 : i32 to index
        %swap3A_50 = tpu.vector_load %arg6[%swap3A] {strides = array<i32>} : memref<640xf32, #tpu.memory_space<vmem>>, vector<16xf32>,
        tpu.vector_store %arg6[%swap3A], %add3A_47 {strides = array<i32>} : memref<640xf32, #tpu.memory_space<vmem>>, vector<16xf32>,
        %scan3A_51 = arith.constant 0 : i32
        scf.yield %scan3A_51 : i32
      }
      %scan3A_36 = arith.constant 40 : i32
      %scan3A_37 = arith.constant 0 : i32
      scf.yield %scan3A_37 : i32
    }
    %scan3A_27 = arith.constant 15 : i32
    "tpu.region"() ({
      %run_scoped3A_28 = tpu.sem_alloc : memref<!tpu.dma_semaphore, #tpu.memory_space<semaphore_mem>>
      %dma_start3A = tpu.memref_slice %arg3[%arg0, %mul3A_20] : memref<2x10240xf32, #tpu.memory_space<hbm>> -> memref<1x640xf32, #tpu.memory_space<hbm>>
      %dma_start3A_29 = tpu.memref_squeeze %dma_start3A : memref<1x640xf32, #tpu.memory_space<hbm>> -> memref<640xf32, #tpu.memory_space<hbm>>
      %dma_start3A_30 = tpu.memref_slice %arg3[%arg0, %mul3A_20] : memref<2x10240xf32, #tpu.memory_space<hbm>> -> memref<1x640xf32, #tpu.memory_space<hbm>>
      %dma_start3A_31 = tpu.memref_squeeze %dma_start3A_30 : memref<1x640xf32, #tpu.memory_space<hbm>> -> memref<640xf32, #tpu.memory_space<hbm>>
      tpu.enqueue_dma source(%arg6 : memref<640xf32, #tpu.memory_space<vmem>>) target(%dma_start3A_31 : memref<640xf32, #tpu.memory_space<hbm>>) target_semaphore(%run_scoped3A_28 : memref<!tpu.dma_semaphore, #tpu.memory_space<semaphore_mem>>)
      %dma_wait3A = tpu.memref_slice %arg3[%arg0, %mul3A_20] : memref<2x10240xf32, #tpu.memory_space<hbm>> -> memref<1x640xf32, #tpu.memory_space<hbm>>
      %dma_wait3A_32 = tpu.memref_squeeze %dma_wait3A : memref<1x640xf32, #tpu.memory_space<hbm>> -> memref<640xf32, #tpu.memory_space<hbm>>
      %dma_wait3A_33 = tpu.memref_slice %arg3[%arg0, %mul3A_20] : memref<2x10240xf32, #tpu.memory_space<hbm>> -> memref<1x640xf32, #tpu.memory_space<hbm>>
      %dma_wait3A_34 = tpu.memref_squeeze %dma_wait3A_33 : memref<1x640xf32, #tpu.memory_space<hbm>> -> memref<640xf32, #tpu.memory_space<hbm>>
      tpu.wait_dma2 semaphore(%run_scoped3A_28 : memref<!tpu.dma_semaphore, #tpu.memory_space<semaphore_mem>>) src(%arg6 : memref<640xf32, #tpu.memory_space<vmem>>) dst(%dma_wait3A_34 : memref<640xf32, #tpu.memory_space<hbm>>)
      tpu.yield
    }) : () -> ()
    return
  }
}

#map = affine_map<(d0, d1) -> (0, 0)>
#map1 = affine_map<(d0, d1) -> (0)>
module attributes {stable_mosaic.version = 14 : i64} {
  func.func @hop_kernel(%arg0: i32, %arg1: i32, %arg2: memref<1x10240xf32, #tpu.memory_space<hbm>>, %arg3: memref<330240xi32, #tpu.memory_space<hbm>>, %arg4: memref<330240xi32, #tpu.memory_space<hbm>>, %arg5: memref<1x10240xf32, #tpu.memory_space<hbm>>, %arg6: memref<2x10240xf32, #tpu.memory_space<hbm>>, %arg7: memref<10320xi32, #tpu.memory_space<vmem>>, %arg8: memref<10320xi32, #tpu.memory_space<vmem>>, %arg9: memref<10240xf32, #tpu.memory_space<vmem>>, %arg10: memref<10240xf32, #tpu.memory_space<vmem>>, %arg11: memref<10240xf32, #tpu.memory_space<vmem>>, %arg12: memref<10240xf32, #tpu.memory_space<vmem>>, %arg13: memref<640xf32, #tpu.memory_space<vmem>>, %arg14: memref<640xf32, #tpu.memory_space<vmem>>, %arg15: memref<16x10240xf32, #tpu.memory_space<vmem_shared>>) attributes {dimension_semantics = [#tpu.dimension_semantics<core_parallel>, #tpu.dimension_semantics<subcore_parallel>], iteration_bounds = array<i64: 2, 16>, scalar_prefetch = 0 : i64, scratch_operands = 9 : i64, tpu.core_type = #tpu.core_type<sc_vector_subcore>, window_params = [{transform_indices = #map}, {transform_indices = #map1}, {transform_indices = #map1}, {transform_indices = #map}, {transform_indices = #map}]} {
    %mul3A = arith.constant 16 : i32
    %mul3A_0 = arith.muli %arg0, %mul3A : i32
    %add3A = arith.addi %mul3A_0, %arg1 : i32
    %mul3A_1 = arith.constant 10320 : i32
    %mul3A_2 = arith.muli %add3A, %mul3A_1 : i32
    "tpu.region"() ({
      %run_scoped3A_28 = tpu.sem_alloc : memref<!tpu.dma_semaphore, #tpu.memory_space<semaphore_mem>>
      %dma_start3A = tpu.memref_slice %arg3[%mul3A_2] : memref<330240xi32, #tpu.memory_space<hbm>> -> memref<10320xi32, #tpu.memory_space<hbm>>
      %dma_start3A_29 = tpu.memref_slice %arg3[%mul3A_2] : memref<330240xi32, #tpu.memory_space<hbm>> -> memref<10320xi32, #tpu.memory_space<hbm>>
      tpu.enqueue_dma source(%dma_start3A_29 : memref<10320xi32, #tpu.memory_space<hbm>>) target(%arg7 : memref<10320xi32, #tpu.memory_space<vmem>>) target_semaphore(%run_scoped3A_28 : memref<!tpu.dma_semaphore, #tpu.memory_space<semaphore_mem>>)
      %dma_wait3A = tpu.memref_slice %arg3[%mul3A_2] : memref<330240xi32, #tpu.memory_space<hbm>> -> memref<10320xi32, #tpu.memory_space<hbm>>
      %dma_wait3A_30 = tpu.memref_slice %arg3[%mul3A_2] : memref<330240xi32, #tpu.memory_space<hbm>> -> memref<10320xi32, #tpu.memory_space<hbm>>
      tpu.wait_dma2 semaphore(%run_scoped3A_28 : memref<!tpu.dma_semaphore, #tpu.memory_space<semaphore_mem>>) src(%dma_wait3A_30 : memref<10320xi32, #tpu.memory_space<hbm>>) dst(%arg7 : memref<10320xi32, #tpu.memory_space<vmem>>)
      tpu.yield
    }) : () -> ()
    "tpu.region"() ({
      %run_scoped3A_28 = tpu.sem_alloc : memref<!tpu.dma_semaphore, #tpu.memory_space<semaphore_mem>>
      %dma_start3A = tpu.memref_slice %arg4[%mul3A_2] : memref<330240xi32, #tpu.memory_space<hbm>> -> memref<10320xi32, #tpu.memory_space<hbm>>
      %dma_start3A_29 = tpu.memref_slice %arg4[%mul3A_2] : memref<330240xi32, #tpu.memory_space<hbm>> -> memref<10320xi32, #tpu.memory_space<hbm>>
      tpu.enqueue_dma source(%dma_start3A_29 : memref<10320xi32, #tpu.memory_space<hbm>>) target(%arg8 : memref<10320xi32, #tpu.memory_space<vmem>>) target_semaphore(%run_scoped3A_28 : memref<!tpu.dma_semaphore, #tpu.memory_space<semaphore_mem>>)
      %dma_wait3A = tpu.memref_slice %arg4[%mul3A_2] : memref<330240xi32, #tpu.memory_space<hbm>> -> memref<10320xi32, #tpu.memory_space<hbm>>
      %dma_wait3A_30 = tpu.memref_slice %arg4[%mul3A_2] : memref<330240xi32, #tpu.memory_space<hbm>> -> memref<10320xi32, #tpu.memory_space<hbm>>
      tpu.wait_dma2 semaphore(%run_scoped3A_28 : memref<!tpu.dma_semaphore, #tpu.memory_space<semaphore_mem>>) src(%dma_wait3A_30 : memref<10320xi32, #tpu.memory_space<hbm>>) dst(%arg8 : memref<10320xi32, #tpu.memory_space<vmem>>)
      tpu.yield
    }) : () -> ()
    %run_scoped3A = arith.constant 0 : i32
    "tpu.region"() ({
      %run_scoped3A_28 = tpu.sem_alloc : memref<!tpu.dma_semaphore, #tpu.memory_space<semaphore_mem>>
      %dma_start3A = arith.constant 0 : i32
      %dma_start3A_29 = tpu.memref_slice %arg5[%run_scoped3A, %dma_start3A] : memref<1x10240xf32, #tpu.memory_space<hbm>> -> memref<1x10240xf32, #tpu.memory_space<hbm>>
      %dma_start3A_30 = tpu.memref_squeeze %dma_start3A_29 : memref<1x10240xf32, #tpu.memory_space<hbm>> -> memref<10240xf32, #tpu.memory_space<hbm>>
      %dma_start3A_31 = arith.constant 0 : i32
      %dma_start3A_32 = tpu.memref_slice %arg5[%run_scoped3A, %dma_start3A_31] : memref<1x10240xf32, #tpu.memory_space<hbm>> -> memref<1x10240xf32, #tpu.memory_space<hbm>>
      %dma_start3A_33 = tpu.memref_squeeze %dma_start3A_32 : memref<1x10240xf32, #tpu.memory_space<hbm>> -> memref<10240xf32, #tpu.memory_space<hbm>>
      tpu.enqueue_dma source(%dma_start3A_33 : memref<10240xf32, #tpu.memory_space<hbm>>) target(%arg10 : memref<10240xf32, #tpu.memory_space<vmem>>) target_semaphore(%run_scoped3A_28 : memref<!tpu.dma_semaphore, #tpu.memory_space<semaphore_mem>>)
      %dma_wait3A = arith.constant 0 : i32
      %dma_wait3A_34 = tpu.memref_slice %arg5[%run_scoped3A, %dma_wait3A] : memref<1x10240xf32, #tpu.memory_space<hbm>> -> memref<1x10240xf32, #tpu.memory_space<hbm>>
      %dma_wait3A_35 = tpu.memref_squeeze %dma_wait3A_34 : memref<1x10240xf32, #tpu.memory_space<hbm>> -> memref<10240xf32, #tpu.memory_space<hbm>>
      %dma_wait3A_36 = arith.constant 0 : i32
      %dma_wait3A_37 = tpu.memref_slice %arg5[%run_scoped3A, %dma_wait3A_36] : memref<1x10240xf32, #tpu.memory_space<hbm>> -> memref<1x10240xf32, #tpu.memory_space<hbm>>
      %dma_wait3A_38 = tpu.memref_squeeze %dma_wait3A_37 : memref<1x10240xf32, #tpu.memory_space<hbm>> -> memref<10240xf32, #tpu.memory_space<hbm>>
      tpu.wait_dma2 semaphore(%run_scoped3A_28 : memref<!tpu.dma_semaphore, #tpu.memory_space<semaphore_mem>>) src(%dma_wait3A_38 : memref<10240xf32, #tpu.memory_space<hbm>>) dst(%arg10 : memref<10240xf32, #tpu.memory_space<vmem>>)
      tpu.yield
    }) : () -> ()
    %run_scoped3A_3 = arith.constant 0 : i32
    "tpu.region"() ({
      %run_scoped3A_28 = tpu.sem_alloc : memref<!tpu.dma_semaphore, #tpu.memory_space<semaphore_mem>>
      %dma_start3A = arith.constant 0 : i32
      %dma_start3A_29 = tpu.memref_slice %arg2[%run_scoped3A_3, %dma_start3A] : memref<1x10240xf32, #tpu.memory_space<hbm>> -> memref<1x10240xf32, #tpu.memory_space<hbm>>
      %dma_start3A_30 = tpu.memref_squeeze %dma_start3A_29 : memref<1x10240xf32, #tpu.memory_space<hbm>> -> memref<10240xf32, #tpu.memory_space<hbm>>
      %dma_start3A_31 = arith.constant 0 : i32
      %dma_start3A_32 = tpu.memref_slice %arg2[%run_scoped3A_3, %dma_start3A_31] : memref<1x10240xf32, #tpu.memory_space<hbm>> -> memref<1x10240xf32, #tpu.memory_space<hbm>>
      %dma_start3A_33 = tpu.memref_squeeze %dma_start3A_32 : memref<1x10240xf32, #tpu.memory_space<hbm>> -> memref<10240xf32, #tpu.memory_space<hbm>>
      tpu.enqueue_dma source(%dma_start3A_33 : memref<10240xf32, #tpu.memory_space<hbm>>) target(%arg9 : memref<10240xf32, #tpu.memory_space<vmem>>) target_semaphore(%run_scoped3A_28 : memref<!tpu.dma_semaphore, #tpu.memory_space<semaphore_mem>>)
      %dma_wait3A = arith.constant 0 : i32
      %dma_wait3A_34 = tpu.memref_slice %arg2[%run_scoped3A_3, %dma_wait3A] : memref<1x10240xf32, #tpu.memory_space<hbm>> -> memref<1x10240xf32, #tpu.memory_space<hbm>>
      %dma_wait3A_35 = tpu.memref_squeeze %dma_wait3A_34 : memref<1x10240xf32, #tpu.memory_space<hbm>> -> memref<10240xf32, #tpu.memory_space<hbm>>
      %dma_wait3A_36 = arith.constant 0 : i32
      %dma_wait3A_37 = tpu.memref_slice %arg2[%run_scoped3A_3, %dma_wait3A_36] : memref<1x10240xf32, #tpu.memory_space<hbm>> -> memref<1x10240xf32, #tpu.memory_space<hbm>>
      %dma_wait3A_38 = tpu.memref_squeeze %dma_wait3A_37 : memref<1x10240xf32, #tpu.memory_space<hbm>> -> memref<10240xf32, #tpu.memory_space<hbm>>
      tpu.wait_dma2 semaphore(%run_scoped3A_28 : memref<!tpu.dma_semaphore, #tpu.memory_space<semaphore_mem>>) src(%dma_wait3A_38 : memref<10240xf32, #tpu.memory_space<hbm>>) dst(%arg9 : memref<10240xf32, #tpu.memory_space<vmem>>)
      tpu.yield
    }) : () -> ()
    %broadcast_in_dim3A = arith.constant 0.000000e+00 : f32
    %broadcast_in_dim3A_4 = vector.broadcast %broadcast_in_dim3A : f32 to vector<16xf32>
    %scan3A = arith.constant 0 : i32
    %scan3A_5 = arith.constant 0 : i32
    %scan3A_6 = arith.constant 640 : i32
    %scan3A_7 = arith.addi %scan3A_5, %scan3A_6 : i32
    %scan3A_8 = arith.constant 1 : i32
    %scan3A_9 = scf.for %scan3A_28 = %scan3A_5 to %scan3A_7 step %scan3A_8 iter_args(%scan3A_29 = %scan3A) -> (i32)  : i32 {
      %mul3A_30 = arith.constant 16 : i32
      %mul3A_31 = arith.muli %scan3A_28, %mul3A_30 : i32
      %swap3A = arith.index_cast %mul3A_31 : i32 to index
      %swap3A_32 = tpu.vector_load %arg11[%swap3A] {strides = array<i32>} : memref<10240xf32, #tpu.memory_space<vmem>>, vector<16xf32>,
      tpu.vector_store %arg11[%swap3A], %broadcast_in_dim3A_4 {strides = array<i32>} : memref<10240xf32, #tpu.memory_space<vmem>>, vector<16xf32>,
      %scan3A_33 = arith.constant 0 : i32
      scf.yield %scan3A_33 : i32
    }
    %scan3A_10 = arith.constant 640 : i32
    %scan3A_11 = arith.constant 0 : i32
    %scan3A_12 = arith.constant 0 : i32
    %scan3A_13 = arith.constant 645 : i32
    %scan3A_14 = arith.addi %scan3A_12, %scan3A_13 : i32
    %scan3A_15 = arith.constant 1 : i32
    %scan3A_16 = scf.for %scan3A_28 = %scan3A_12 to %scan3A_14 step %scan3A_15 iter_args(%scan3A_29 = %scan3A_11) -> (i32)  : i32 {
      %mul3A_30 = arith.constant 16 : i32
      %mul3A_31 = arith.muli %scan3A_28, %mul3A_30 : i32
      %get3A = arith.index_cast %mul3A_31 : i32 to index
      %get3A_32 = tpu.vector_load %arg7[%get3A] {strides = array<i32>} : memref<10320xi32, #tpu.memory_space<vmem>>, vector<16xi32>,
      %mul3A_33 = arith.constant 16 : i32
      %mul3A_34 = arith.muli %scan3A_28, %mul3A_33 : i32
      %get3A_35 = arith.index_cast %mul3A_34 : i32 to index
      %get3A_36 = tpu.vector_load %arg8[%get3A_35] {strides = array<i32>} : memref<10320xi32, #tpu.memory_space<vmem>>, vector<16xi32>,
      %gather3A = tpu.vector_load_idx %arg10[%get3A_32] : memref<10240xf32, #tpu.memory_space<vmem>>[vector<16xi32>], vector<16xf32>,
      %gather3A_37 = tpu.vector_load_idx %arg10[%get3A_36] : memref<10240xf32, #tpu.memory_space<vmem>>[vector<16xi32>], vector<16xf32>,
      %gather3A_38 = tpu.vector_load_idx %arg9[%get3A_32] : memref<10240xf32, #tpu.memory_space<vmem>>[vector<16xi32>], vector<16xf32>,
      %mul3A_39 = arith.mulf %gather3A, %gather3A_37 : vector<16xf32>
      %mul3A_40 = arith.mulf %mul3A_39, %gather3A_38 : vector<16xf32>
      tpu.vector_store_idx %arg11[%get3A_36], %mul3A_40 {add = true} : memref<10240xf32, #tpu.memory_space<vmem>>[vector<16xi32>], vector<16xf32>,
      %scan3A_41 = arith.constant 0 : i32
      scf.yield %scan3A_41 : i32
    }
    %scan3A_17 = arith.constant 645 : i32
    "tpu.region"() ({
      %run_scoped3A_28 = tpu.sem_alloc : memref<!tpu.dma_semaphore, #tpu.memory_space<semaphore_mem>>
      %dma_start3A = arith.constant 0 : i32
      %dma_start3A_29 = tpu.memref_slice %arg15[%arg1, %dma_start3A] : memref<16x10240xf32, #tpu.memory_space<vmem_shared>> -> memref<1x10240xf32, #tpu.memory_space<vmem_shared>>
      %dma_start3A_30 = tpu.memref_squeeze %dma_start3A_29 : memref<1x10240xf32, #tpu.memory_space<vmem_shared>> -> memref<10240xf32, #tpu.memory_space<vmem_shared>>
      %dma_start3A_31 = arith.constant 0 : i32
      %dma_start3A_32 = tpu.memref_slice %arg15[%arg1, %dma_start3A_31] : memref<16x10240xf32, #tpu.memory_space<vmem_shared>> -> memref<1x10240xf32, #tpu.memory_space<vmem_shared>>
      %dma_start3A_33 = tpu.memref_squeeze %dma_start3A_32 : memref<1x10240xf32, #tpu.memory_space<vmem_shared>> -> memref<10240xf32, #tpu.memory_space<vmem_shared>>
      tpu.enqueue_dma source(%arg11 : memref<10240xf32, #tpu.memory_space<vmem>>) target(%dma_start3A_33 : memref<10240xf32, #tpu.memory_space<vmem_shared>>) target_semaphore(%run_scoped3A_28 : memref<!tpu.dma_semaphore, #tpu.memory_space<semaphore_mem>>)
      %dma_wait3A = arith.constant 0 : i32
      %dma_wait3A_34 = tpu.memref_slice %arg15[%arg1, %dma_wait3A] : memref<16x10240xf32, #tpu.memory_space<vmem_shared>> -> memref<1x10240xf32, #tpu.memory_space<vmem_shared>>
      %dma_wait3A_35 = tpu.memref_squeeze %dma_wait3A_34 : memref<1x10240xf32, #tpu.memory_space<vmem_shared>> -> memref<10240xf32, #tpu.memory_space<vmem_shared>>
      %dma_wait3A_36 = arith.constant 0 : i32
      %dma_wait3A_37 = tpu.memref_slice %arg15[%arg1, %dma_wait3A_36] : memref<16x10240xf32, #tpu.memory_space<vmem_shared>> -> memref<1x10240xf32, #tpu.memory_space<vmem_shared>>
      %dma_wait3A_38 = tpu.memref_squeeze %dma_wait3A_37 : memref<1x10240xf32, #tpu.memory_space<vmem_shared>> -> memref<10240xf32, #tpu.memory_space<vmem_shared>>
      tpu.wait_dma2 semaphore(%run_scoped3A_28 : memref<!tpu.dma_semaphore, #tpu.memory_space<semaphore_mem>>) src(%arg11 : memref<10240xf32, #tpu.memory_space<vmem>>) dst(%dma_wait3A_38 : memref<10240xf32, #tpu.memory_space<vmem_shared>>)
      tpu.yield
    }) : () -> ()
    %barrier3A = arith.constant 0 : index
    tpu.barrier barrier_id(%barrier3A)
    %mul3A_18 = arith.constant 640 : i32
    %mul3A_19 = arith.muli %arg1, %mul3A_18 : i32
    %run_scoped3A_20 = arith.constant 0 : i32
    "tpu.region"() ({
      %run_scoped3A_28 = tpu.sem_alloc : memref<!tpu.dma_semaphore, #tpu.memory_space<semaphore_mem>>
      %dma_start3A = tpu.memref_slice %arg15[%run_scoped3A_20, %mul3A_19] : memref<16x10240xf32, #tpu.memory_space<vmem_shared>> -> memref<1x640xf32, #tpu.memory_space<vmem_shared>>
      %dma_start3A_29 = tpu.memref_squeeze %dma_start3A : memref<1x640xf32, #tpu.memory_space<vmem_shared>> -> memref<640xf32, #tpu.memory_space<vmem_shared>>
      %dma_start3A_30 = tpu.memref_slice %arg15[%run_scoped3A_20, %mul3A_19] : memref<16x10240xf32, #tpu.memory_space<vmem_shared>> -> memref<1x640xf32, #tpu.memory_space<vmem_shared>>
      %dma_start3A_31 = tpu.memref_squeeze %dma_start3A_30 : memref<1x640xf32, #tpu.memory_space<vmem_shared>> -> memref<640xf32, #tpu.memory_space<vmem_shared>>
      tpu.enqueue_dma source(%dma_start3A_31 : memref<640xf32, #tpu.memory_space<vmem_shared>>) target(%arg13 : memref<640xf32, #tpu.memory_space<vmem>>) target_semaphore(%run_scoped3A_28 : memref<!tpu.dma_semaphore, #tpu.memory_space<semaphore_mem>>)
      %dma_wait3A = tpu.memref_slice %arg15[%run_scoped3A_20, %mul3A_19] : memref<16x10240xf32, #tpu.memory_space<vmem_shared>> -> memref<1x640xf32, #tpu.memory_space<vmem_shared>>
      %dma_wait3A_32 = tpu.memref_squeeze %dma_wait3A : memref<1x640xf32, #tpu.memory_space<vmem_shared>> -> memref<640xf32, #tpu.memory_space<vmem_shared>>
      %dma_wait3A_33 = tpu.memref_slice %arg15[%run_scoped3A_20, %mul3A_19] : memref<16x10240xf32, #tpu.memory_space<vmem_shared>> -> memref<1x640xf32, #tpu.memory_space<vmem_shared>>
      %dma_wait3A_34 = tpu.memref_squeeze %dma_wait3A_33 : memref<1x640xf32, #tpu.memory_space<vmem_shared>> -> memref<640xf32, #tpu.memory_space<vmem_shared>>
      tpu.wait_dma2 semaphore(%run_scoped3A_28 : memref<!tpu.dma_semaphore, #tpu.memory_space<semaphore_mem>>) src(%dma_wait3A_34 : memref<640xf32, #tpu.memory_space<vmem_shared>>) dst(%arg13 : memref<640xf32, #tpu.memory_space<vmem>>)
      tpu.yield
    }) : () -> ()
    %scan3A_21 = arith.constant 0 : i32
    %scan3A_22 = arith.constant 1 : i32
    %scan3A_23 = arith.constant 15 : i32
    %scan3A_24 = arith.addi %scan3A_22, %scan3A_23 : i32
    %scan3A_25 = arith.constant 1 : i32
    %scan3A_26 = scf.for %scan3A_28 = %scan3A_22 to %scan3A_24 step %scan3A_25 iter_args(%scan3A_29 = %scan3A_21) -> (i32)  : i32 {
      "tpu.region"() ({
        %run_scoped3A_38 = tpu.sem_alloc : memref<!tpu.dma_semaphore, #tpu.memory_space<semaphore_mem>>
        %dma_start3A = tpu.memref_slice %arg15[%scan3A_28, %mul3A_19] : memref<16x10240xf32, #tpu.memory_space<vmem_shared>> -> memref<1x640xf32, #tpu.memory_space<vmem_shared>>
        %dma_start3A_39 = tpu.memref_squeeze %dma_start3A : memref<1x640xf32, #tpu.memory_space<vmem_shared>> -> memref<640xf32, #tpu.memory_space<vmem_shared>>
        %dma_start3A_40 = tpu.memref_slice %arg15[%scan3A_28, %mul3A_19] : memref<16x10240xf32, #tpu.memory_space<vmem_shared>> -> memref<1x640xf32, #tpu.memory_space<vmem_shared>>
        %dma_start3A_41 = tpu.memref_squeeze %dma_start3A_40 : memref<1x640xf32, #tpu.memory_space<vmem_shared>> -> memref<640xf32, #tpu.memory_space<vmem_shared>>
        tpu.enqueue_dma source(%dma_start3A_41 : memref<640xf32, #tpu.memory_space<vmem_shared>>) target(%arg14 : memref<640xf32, #tpu.memory_space<vmem>>) target_semaphore(%run_scoped3A_38 : memref<!tpu.dma_semaphore, #tpu.memory_space<semaphore_mem>>)
        %dma_wait3A = tpu.memref_slice %arg15[%scan3A_28, %mul3A_19] : memref<16x10240xf32, #tpu.memory_space<vmem_shared>> -> memref<1x640xf32, #tpu.memory_space<vmem_shared>>
        %dma_wait3A_42 = tpu.memref_squeeze %dma_wait3A : memref<1x640xf32, #tpu.memory_space<vmem_shared>> -> memref<640xf32, #tpu.memory_space<vmem_shared>>
        %dma_wait3A_43 = tpu.memref_slice %arg15[%scan3A_28, %mul3A_19] : memref<16x10240xf32, #tpu.memory_space<vmem_shared>> -> memref<1x640xf32, #tpu.memory_space<vmem_shared>>
        %dma_wait3A_44 = tpu.memref_squeeze %dma_wait3A_43 : memref<1x640xf32, #tpu.memory_space<vmem_shared>> -> memref<640xf32, #tpu.memory_space<vmem_shared>>
        tpu.wait_dma2 semaphore(%run_scoped3A_38 : memref<!tpu.dma_semaphore, #tpu.memory_space<semaphore_mem>>) src(%dma_wait3A_44 : memref<640xf32, #tpu.memory_space<vmem_shared>>) dst(%arg14 : memref<640xf32, #tpu.memory_space<vmem>>)
        tpu.yield
      }) : () -> ()
      %scan3A_30 = arith.constant 0 : i32
      %scan3A_31 = arith.constant 0 : i32
      %scan3A_32 = arith.constant 40 : i32
      %scan3A_33 = arith.addi %scan3A_31, %scan3A_32 : i32
      %scan3A_34 = arith.constant 1 : i32
      %scan3A_35 = scf.for %scan3A_38 = %scan3A_31 to %scan3A_33 step %scan3A_34 iter_args(%scan3A_39 = %scan3A_30) -> (i32)  : i32 {
        %mul3A_40 = arith.constant 16 : i32
        %mul3A_41 = arith.muli %scan3A_38, %mul3A_40 : i32
        %get3A = arith.index_cast %mul3A_41 : i32 to index
        %get3A_42 = tpu.vector_load %arg13[%get3A] {strides = array<i32>} : memref<640xf32, #tpu.memory_space<vmem>>, vector<16xf32>,
        %mul3A_43 = arith.constant 16 : i32
        %mul3A_44 = arith.muli %scan3A_38, %mul3A_43 : i32
        %get3A_45 = arith.index_cast %mul3A_44 : i32 to index
        %get3A_46 = tpu.vector_load %arg14[%get3A_45] {strides = array<i32>} : memref<640xf32, #tpu.memory_space<vmem>>, vector<16xf32>,
        %add3A_47 = arith.addf %get3A_42, %get3A_46 : vector<16xf32>
        %mul3A_48 = arith.constant 16 : i32
        %mul3A_49 = arith.muli %scan3A_38, %mul3A_48 : i32
        %swap3A = arith.index_cast %mul3A_49 : i32 to index
        %swap3A_50 = tpu.vector_load %arg13[%swap3A] {strides = array<i32>} : memref<640xf32, #tpu.memory_space<vmem>>, vector<16xf32>,
        tpu.vector_store %arg13[%swap3A], %add3A_47 {strides = array<i32>} : memref<640xf32, #tpu.memory_space<vmem>>, vector<16xf32>,
        %scan3A_51 = arith.constant 0 : i32
        scf.yield %scan3A_51 : i32
      }
      %scan3A_36 = arith.constant 40 : i32
      %scan3A_37 = arith.constant 0 : i32
      scf.yield %scan3A_37 : i32
    }
    %scan3A_27 = arith.constant 15 : i32
    "tpu.region"() ({
      %run_scoped3A_28 = tpu.sem_alloc : memref<!tpu.dma_semaphore, #tpu.memory_space<semaphore_mem>>
      %dma_start3A = tpu.memref_slice %arg6[%arg0, %mul3A_19] : memref<2x10240xf32, #tpu.memory_space<hbm>> -> memref<1x640xf32, #tpu.memory_space<hbm>>
      %dma_start3A_29 = tpu.memref_squeeze %dma_start3A : memref<1x640xf32, #tpu.memory_space<hbm>> -> memref<640xf32, #tpu.memory_space<hbm>>
      %dma_start3A_30 = tpu.memref_slice %arg6[%arg0, %mul3A_19] : memref<2x10240xf32, #tpu.memory_space<hbm>> -> memref<1x640xf32, #tpu.memory_space<hbm>>
      %dma_start3A_31 = tpu.memref_squeeze %dma_start3A_30 : memref<1x640xf32, #tpu.memory_space<hbm>> -> memref<640xf32, #tpu.memory_space<hbm>>
      tpu.enqueue_dma source(%arg13 : memref<640xf32, #tpu.memory_space<vmem>>) target(%dma_start3A_31 : memref<640xf32, #tpu.memory_space<hbm>>) target_semaphore(%run_scoped3A_28 : memref<!tpu.dma_semaphore, #tpu.memory_space<semaphore_mem>>)
      %dma_wait3A = tpu.memref_slice %arg6[%arg0, %mul3A_19] : memref<2x10240xf32, #tpu.memory_space<hbm>> -> memref<1x640xf32, #tpu.memory_space<hbm>>
      %dma_wait3A_32 = tpu.memref_squeeze %dma_wait3A : memref<1x640xf32, #tpu.memory_space<hbm>> -> memref<640xf32, #tpu.memory_space<hbm>>
      %dma_wait3A_33 = tpu.memref_slice %arg6[%arg0, %mul3A_19] : memref<2x10240xf32, #tpu.memory_space<hbm>> -> memref<1x640xf32, #tpu.memory_space<hbm>>
      %dma_wait3A_34 = tpu.memref_squeeze %dma_wait3A_33 : memref<1x640xf32, #tpu.memory_space<hbm>> -> memref<640xf32, #tpu.memory_space<hbm>>
      tpu.wait_dma2 semaphore(%run_scoped3A_28 : memref<!tpu.dma_semaphore, #tpu.memory_space<semaphore_mem>>) src(%arg13 : memref<640xf32, #tpu.memory_space<vmem>>) dst(%dma_wait3A_34 : memref<640xf32, #tpu.memory_space<hbm>>)
      tpu.yield
    }) : () -> ()
    return
  }
}

module attributes {stable_mosaic.version = 14 : i64} {
  func.func @body(%arg0: memref<2x10240xf32, #tpu.memory_space<vmem>>, %arg1: memref<10240x128xf32, #tpu.memory_space<vmem>>, %arg2: memref<128x1xf32, #tpu.memory_space<vmem>>, %arg3: memref<1x10240xf32, #tpu.memory_space<vmem>>, %arg4: memref<10240x1xf32, #tpu.memory_space<vmem>>) attributes {dimension_semantics = [], scalar_prefetch = 0 : i64, scratch_operands = 0 : i64, tpu.core_type = #tpu.core_type<tc>} {
    %get3A = arith.constant 0 : index
    %get3A_0 = arith.constant 0 : index
    %get3A_1 = vector.load %arg0[%get3A, %get3A_0] : memref<2x10240xf32, #tpu.memory_space<vmem>>, vector<1x10240xf32>
    %get3A_2 = arith.constant 1 : index
    %get3A_3 = arith.constant 0 : index
    %get3A_4 = vector.load %arg0[%get3A_2, %get3A_3] : memref<2x10240xf32, #tpu.memory_space<vmem>>, vector<1x10240xf32>
    %add3A = arith.addf %get3A_1, %get3A_4 : vector<1x10240xf32>
    %max3A = arith.constant 1.000000e+00 : f32
    %max3A_5 = vector.broadcast %max3A : f32 to vector<1x10240xf32>
    %max3A_6 = arith.maximumf %add3A, %max3A_5 : vector<1x10240xf32>
    %rsqrt3A = math.rsqrt %max3A_6 : vector<1x10240xf32>
    %swap3A = arith.constant 0 : index
    %swap3A_7 = arith.constant 0 : index
    %swap3A_8 = vector.load %arg3[%swap3A, %swap3A_7] : memref<1x10240xf32, #tpu.memory_space<vmem>>, vector<1x10240xf32>
    tpu.vector_store %arg3[%swap3A, %swap3A_7], %rsqrt3A {strides = array<i32>} : memref<1x10240xf32, #tpu.memory_space<vmem>>, vector<1x10240xf32>,
    %get3A_9 = arith.constant 0 : index
    %get3A_10 = arith.constant 0 : index
    %get3A_11 = vector.load %arg1[%get3A_9, %get3A_10] : memref<10240x128xf32, #tpu.memory_space<vmem>>, vector<10240x128xf32>
    %get3A_12 = arith.constant 0 : index
    %get3A_13 = arith.constant 0 : index
    %get3A_14 = vector.load %arg2[%get3A_12, %get3A_13] : memref<128x1xf32, #tpu.memory_space<vmem>>, vector<128x1xf32>
    %dot_general3A = arith.constant dense<0.000000e+00> : vector<10240x1xf32>
    %dot_general3A_15 = tpu.matmul %get3A_11, %get3A_14, %dot_general3A {dimension_numbers = #tpu.dot_dimension_numbers<[1], [0], [0], [1], [0, 0, 1, 1], [], []>, transpose_lhs_hint = false} : vector<10240x128xf32>, vector<128x1xf32>, vector<10240x1xf32> -> vector<10240x1xf32>
    %swap3A_16 = arith.constant 0 : index
    %swap3A_17 = arith.constant 0 : index
    %swap3A_18 = vector.load %arg4[%swap3A_16, %swap3A_17] : memref<10240x1xf32, #tpu.memory_space<vmem>>, vector<10240x1xf32>
    tpu.vector_store %arg4[%swap3A_16, %swap3A_17], %dot_general3A_15 {strides = array<i32>} : memref<10240x1xf32, #tpu.memory_space<vmem>>, vector<10240x1xf32>,
    return
  }
}

module attributes {stable_mosaic.version = 14 : i64} {
  func.func @body(%arg0: memref<2x10240xf32, #tpu.memory_space<vmem>>, %arg1: memref<1x1xf32, #tpu.memory_space<vmem>>, %arg2: memref<1x10000xf32, #tpu.memory_space<vmem>>) attributes {dimension_semantics = [], scalar_prefetch = 0 : i64, scratch_operands = 0 : i64, tpu.core_type = #tpu.core_type<tc>} {
    %get3A = arith.constant 0 : index
    %get3A_0 = arith.constant 0 : index
    %get3A_1 = vector.load %arg0[%get3A, %get3A_0] : memref<2x10240xf32, #tpu.memory_space<vmem>>, vector<1x10000xf32>
    %get3A_2 = arith.constant 1 : index
    %get3A_3 = arith.constant 0 : index
    %get3A_4 = vector.load %arg0[%get3A_2, %get3A_3] : memref<2x10240xf32, #tpu.memory_space<vmem>>, vector<1x10000xf32>
    %add3A = arith.addf %get3A_1, %get3A_4 : vector<1x10000xf32>
    %get3A_5 = arith.constant 0 : index
    %get3A_6 = arith.constant 0 : index
    %get3A_7 = vector.load %arg1[%get3A_5, %get3A_6] : memref<1x1xf32, #tpu.memory_space<vmem>>, vector<1x1xf32>
    %add3A_8 = vector.broadcast %get3A_7 : vector<1x1xf32> to vector<1x10000xf32>
    %add3A_9 = arith.addf %add3A, %add3A_8 : vector<1x10000xf32>
    %swap3A = arith.constant 0 : index
    %swap3A_10 = arith.constant 0 : index
    %swap3A_11 = vector.load %arg2[%swap3A, %swap3A_10] : memref<1x10000xf32, #tpu.memory_space<vmem>>, vector<1x10000xf32>
    tpu.vector_store %arg2[%swap3A, %swap3A_10], %add3A_9 {strides = array<i32>} : memref<1x10000xf32, #tpu.memory_space<vmem>>, vector<1x10000xf32>,
    return
  }
}

</mosaic_0001>

<sc_bundles>
// kernel: kernel.10.cloned.1.call-start
scs
__scs_entry_jumppad:
0x0: {  	(pc) =	sbr.rel $0x88, $3  }
0x1: {  	(tag) =	ssettag $0x0;
	lr =	simm.s32 $0x1  }
0x2: {  	[smem:$0x3F9D] =	sst lr;
	_ =	strace $0xD0000000  }
0x3: {  	_ = 	snop  }
0x4: {  	_ = 	snop  }
0x5: {  	_ = 	snop  }
0x6: {  	_ = 	snop  }
0x7: {  	_ = 	snop  }
__scs_overlays_trampoline_lowered:
0x8: {  	[smem:$0x3FAC] =	sst s0  }
0x9: {  	[smem:$0x3FAD] =	sst s1  }
0xa: {  	[smem:$0x3FAE] =	sst s2  }
0xb: {  	[smem:$0x3FAF] =	sst s3  }
0xc: {  	[smem:$0x3FB0] =	sst s4  }
0xd: {  	[smem:$0x3FB1] =	sst s5  }
0xe: {  	[smem:$0x3FB2] =	sst s6  }
0xf: {  	[smem:$0x3FB3] =	sst s7  }
0x10: {  	[smem:$0x3FB4] =	sst s8  }
0x11: {  	[smem:$0x3FB5] =	sst s9;
	s0 =	simm.s32 @!p0 $0x0  }
0x12: {  	s1 =	sld [smem:$0x3F9B];
	s0 =	simm.s32 @p0 $0x1  }
0x13: {  	[smem:$0x3FB6] =	sst s0;
	s0 =	simm.s32 @!p1 $0x0  }
0x14: {  	s2 =	sld [smem:$0x3F9A];
	s0 =	simm.s32 @p1 $0x1  }
0x15: {  	[smem:$0x3FB7] =	sst s0;
	s0 =	simm.s32 @!p2 $0x0  }
0x16: {  	s3 =	sld [smem:$0x3FDB];
	s0 =	simm.s32 @p2 $0x1  }
0x17: {  	s4 =	simm.s32 $0x1BF5;
	[smem:$0x3FB9] =	sst s0  }
0x18: {  	s0 =	sld [smem:$0x3F9C];
	_ =	swait.ge [sflag:s4], $0x0  }
0x19: {  	s7 =	sld [smem:$0x3F9D]  }
0x1a: {  	s8 =	sadd.s32 $0xFFFFE003, lr  }
0x1b: {  	s9 =	sadd.s32 $0xFFFFFEF7, lr;
	s5 =	simm.s32 $0xFFFFFFFF;
	p2 =	slt.u32 s8, $0xFFFFF086  }
0x1c: {  	p1 =	slt.u32 s9, $0xF7A;
	s5 =	simm.s32 @!p2 $0x0  }
0x1d: {  	s5 =	simm.s32 @p1 $0x1;
	p0 =	seq.s32 s7, s2  }
0x1e: {  	s7 =	smul.u32 @!p0 $0xF7A, s2;
	p2 =	seq.s32 @!p0 s5, $0x0  }
0x1f: {  	s9 =	smul.u32 $0xF7A, s1;
	s8 =	simm.s32 @!p0 $0x1BF5;
	p2 =	por !p2, p0  }
0x20: {  	[sflag:s8] =	ssyncset.s32 @!p0 $0xFFFFF086;
	s6 =	sadd.s32 @!p0 s3, s7;
	s7 =	simm.s32 @!p0 $0x108  }
0x21: {  	s3 =	sadd.s32 s3, s9;
	s6 =	sadd.s32 @!p0 $0x88, s6;
	s7 =	simm.s32 @p2 $0x1082  }
0x22: {  	[simem:s7], [sflag:s8] =	dma.local @!p0 [hbm:s6], $0xF7A  }
0x23: {  	s9 =	sor.u32 $0xD0000000, s2;
	s6 =	simm.s32 $0x108;
	_ =	swait.ge @!p0 [sflag:s8], $0x0  }
0x24: {  	s3 =	sadd.s32 $0x88, s3;
	s6 =	simm.s32 @!p1 $0x1082;
	[sflag:s4] =	ssyncset.s32 $0xFFFFF086  }
0x25: {  	[simem:s6], [sflag:s4] =	dma.local [hbm:s3], $0xF7A  }
0x26: {  	[smem:$0x3F9D] =	sst s1;
	(tag) =	ssettag s2;
	_ =	strace s9  }
0x27: {  	s1 =	sld [smem:$0x3FAD]  }
0x28: {  	s2 =	sld [smem:$0x3FAE]  }
0x29: {  	s4 =	sld [smem:$0x3FB0]  }
0x2a: {  	p0 =	seq.s32 s5, $0x0;
	s5 =	sld [smem:$0x3FB1]  }
0x2b: {  	s6 =	sld [smem:$0x3FB2]  }
0x2c: {  	s7 =	sld [smem:$0x3FB3]  }
0x2d: {  	s3 =	simm.s32 $0x108;
	s8 =	sld [smem:$0x3FB4]  }
0x2e: {  	s3 =	simm.s32 @!p0 $0x1082;
	s9 =	sld [smem:$0x3FB5]  }
0x2f: {  	lr =	sadd.s32 s0, s3;
	s0 =	sld [smem:$0x3FAC]  }
0x30: {  	s3 =	sld [smem:$0x3FAF]  }
0x31: {  	[smem:$0x3FB8] =	sst s10  }
0x32: {  	s10 =	sld [smem:$0x3FB6];
	_ =	sdelay $0x3  }
0x33: {  	p0 =	seq.s32 s10, $0x1;
	s10 =	sld [smem:$0x3FB8];
	_ =	sdelay $0x3  }
0x34: {  	[smem:$0x3FB8] =	sst s10  }
0x35: {  	s10 =	sld [smem:$0x3FB7];
	_ =	sdelay $0x3  }
0x36: {  	p1 =	seq.s32 s10, $0x1;
	s10 =	sld [smem:$0x3FB8];
	_ =	sdelay $0x3  }
0x37: {  	[smem:$0x3FB8] =	sst s10  }
0x38: {  	s10 =	sld [smem:$0x3FB9]  }
0x39: {  	_ = 	snop;
	(pc) =	sbr.ind lr, $3  }
0x3a: {  	_ = 	snop  }
0x3b: {  	_ = 	snop  }
0x3c: {  	p2 =	seq.s32 s10, $0x1;
	s10 =	sld [smem:$0x3FB8]  }
0x3d: {  	_ =	shalt  }
0x3e: {  	_ =	shalt  }
0x3f: {  	_ =	shalt  }
0x40: {  	_ =	shalt  }
0x41: {  	_ =	shalt  }
0x42: {  	_ =	shalt  }
0x43: {  	_ =	shalt  }
0x44: {  	_ =	shalt  }
0x45: {  	_ =	shalt  }
0x46: {  	_ =	shalt  }
0x47: {  	_ =	shalt  }
0x48: {  	_ =	shalt  }
0x49: {  	_ =	shalt  }
0x4a: {  	_ =	shalt  }
0x4b: {  	_ =	shalt  }
0x4c: {  	_ =	shalt  }
0x4d: {  	_ =	shalt  }
0x4e: {  	_ =	shalt  }
0x4f: {  	_ =	shalt  }
0x50: {  	_ =	shalt  }
0x51: {  	_ =	shalt  }
0x52: {  	_ =	shalt  }
0x53: {  	_ =	shalt  }
0x54: {  	_ =	shalt  }
0x55: {  	_ =	shalt  }
0x56: {  	_ =	shalt  }
0x57: {  	_ =	shalt  }
0x58: {  	_ =	shalt  }
0x59: {  	_ =	shalt  }
0x5a: {  	_ =	shalt  }
0x5b: {  	_ =	shalt  }
0x5c: {  	_ =	shalt  }
0x5d: {  	_ =	shalt  }
0x5e: {  	_ =	shalt  }
0x5f: {  	_ =	shalt  }
0x60: {  	_ =	shalt  }
0x61: {  	_ =	shalt  }
0x62: {  	_ =	shalt  }
0x63: {  	_ =	shalt  }
0x64: {  	_ =	shalt  }
0x65: {  	_ =	shalt  }
0x66: {  	_ =	shalt  }
0x67: {  	_ =	shalt  }
0x68: {  	_ =	shalt  }
0x69: {  	_ =	shalt  }
0x6a: {  	_ =	shalt  }
0x6b: {  	_ =	shalt  }
0x6c: {  	_ =	shalt  }
0x6d: {  	_ =	shalt  }
0x6e: {  	_ =	shalt  }
0x6f: {  	_ =	shalt  }
0x70: {  	_ =	shalt  }
0x71: {  	_ =	shalt  }
0x72: {  	_ =	shalt  }
0x73: {  	_ =	shalt  }
0x74: {  	_ =	shalt  }
0x75: {  	_ =	shalt  }
0x76: {  	_ =	shalt  }
0x77: {  	_ =	shalt  }
0x78: {  	_ =	shalt  }
0x79: {  	_ =	shalt  }
0x7a: {  	_ =	shalt  }
0x7b: {  	_ =	shalt  }
0x7c: {  	_ =	shalt  }
0x7d: {  	_ =	shalt  }
0x7e: {  	_ =	shalt  }
0x7f: {  	_ =	shalt  }
0x80: {  	_ =	shalt  }
0x81: {  	_ =	shalt  }
0x82: {  	_ =	shalt  }
0x83: {  	_ =	shalt  }
0x84: {  	_ =	shalt  }
0x85: {  	_ =	shalt  }
0x86: {  	_ =	shalt  }
0x87: {  	_ =	shalt  }
.Lfunc_end0:
.L_simem_size_0:
called_computation.1_lowered:
.L_overlay_start_0:
0x88: {  	s2 =	sld [smem:$0x3FD9]  }
0x89: {  	s3 =	sld [smem:$0x3FFE];
	_ =	sdelay $0x1  }
0x8a: {  	s1 =	srdreg.scid  }
0x8b: {  	s0 =	sand.u32 $0x1, s1  }
0x8c: {  	s17 =	sshll.u32 s0, $0xA;
	s2 =	sadd.s32 s3, s2  }
0x8d: {  	s2 =	sadd.s32 s2, s17  }
0x8e: {  	[smem:$0x3FC4] =	sst s2  }
0x8f: {  	_ = 	snop  }
0x90: {  	s2 =	sld [smem:$0x3FD0];
	(tm) =	ssettm $0x1  }
0x91: {  	s18 =	sld [smem:$0x3FFB];
	_ =	sdelay $0x3  }
0x92: {  	_ =	strace s18  }
0x93: {  	s3 =	sld [smem:$0x3FFC];
	_ =	sdelay $0x3  }
0x94: {  	_ =	strace s3  }
0x95: {  	s3 =	sld [smem:$0x3FFD];
	_ =	sdelay $0x3  }
0x96: {  	_ =	strace s3  }
0x97: {  	_ =	strace $0x8FFFFFFF  }
0x98: {  	s19 =	sld [smem:$0x3FDB];
	_ =	sdelay $0x1  }
0x99: {  	s4 =	simm.s32 $_scs_section_size  }
0x9a: {  	s5 =	simm.s32 $_size__tile_overlayer_lowered;
	s6 =	simm.s32 $_tile_overlayer_lowered  }
0x9b: {  	s22 =	simm.s32 $0x1BFF;
	s21 =	sshll.u32 s6, $0x1;
	s3 =	sadd.s32 s4, s19  }
0x9c: {  	s7 =	simm.s32 $0x0;
	s20 =	sshll.u32 s5, $0x1;
	s5 =	sadd.s32 s21, s3  }
0x9d: {  	[timem:s7], [sflag:s22] =	dma.local [hbm:s5], s20  }
0x9e: {  	_ =	swait.ge [sflag:s22], s20  }
0x9f: {  	s4 =	ssub.s32 $0x0, s20;
	[sflag:s22] =	ssyncset.done $0x0  }
0xa0: {  	[sflag:s22] =	ssyncadd.s32 s4;
	_ =	sdelay $0x1  }
0xa1: {  	s23 =	simm.s32 $0x1B8B  }
0xa2: {  	_ =	swait.ge [sflag:s23], $0x1  }
0xa3: {  	[sflag:s23] =	ssyncset.done $0x0  }
0xa4: {  	s25 =	simm.s32 $0x1B8E;
	s24 =	sld [smem:$0x3FFE];
	[sflag:s23] =	ssyncadd.s32 $0xFFFFFFFF  }
0xa5: {  	s26 =	simm.s32 $execute0_lowered;
	[smem:$0x3FD2] =	sst s25  }
0xa6: {  	s5 =	sshll.u32 s26, $0x1;
	_ =	strace $0x80000049;
	[dreg:$0x1] =	wrdreg $0xFFFFFFFF  }
0xa7: {  	s28 =	simm.s32 $_size_execute0_lowered;
	s3 =	sadd.s32 s3, s5;
	[dreg:$0x0] =	wrdreg $0x0  }
0xa8: {  	s5 =	sshll.u32 s28, $0x1;
	[dreg:$0x2] =	wrdreg s3  }
0xa9: {  	[dreg:$0x3] =	wrdreg s5  }
0xaa: {  	[dreg:$0x4] =	wrdreg $0xC0  }
0xab: {  	_ =	task [dreg:s7], $0x5FFFF  }
0xac: {  	[dreg:$0x1] =	wrdreg $0xFFFFFFFF  }
0xad: {  	[dreg:$0x0] =	wrdreg $0x60  }
0xae: {  	[dreg:$0x2] =	wrdreg s2  }
0xaf: {  	[dreg:$0x3] =	wrdreg s24  }
0xb0: {  	[dreg:$0x4] =	wrdreg $0xCE000  }
0xb1: {  	[dreg:$0x5] =	wrdreg $0x9  }
0xb2: {  	_ =	task.clear_ibuf [dreg:s7], $0x6FFFF;
	_ =	strace $0x90000049  }
0xb3: {  	s29 =	simm.s32 $0x9;
	_ =	strace $0x8000004B  }
0xb4: {  	_ =	swait.ge [sflag:s29], $0x1  }
0xb5: {  	[sflag:s29] =	ssyncadd.s32 $0xFFFFFFFF  }
0xb6: {  	_ =	strace $0x9000004B  }
0xb7: {  	_ =	sfence  }
0xb8: {  	s30 =	sld [smem:$0x0];
	_ =	sdelay $0x2  }
0xb9: {  	s31 =	sshll.u32 s1, $0xD;
	s1 =	sshrl.u32 s1, $0x2  }
0xba: {  	s3 =	sand.u32 $0x4000, s31;
	s1 =	sadd.s32 s1, s30  }
0xbb: {  	s0 =	sor.u32 s3, s0;
	s1 =	sshll.u32 s1, $0x11  }
0xbc: {  	s0 =	sor.u32 s1, s0  }
0xbd: {  	s0 =	sadd.s32 $0x8F2B, s0  }
0xbe: {  	[sflag:s0] =	ssyncadd.remote.s32 $0x1  }
0xbf: {  	_ =	sfence.sel $0xFFFF  }
0xc0: {  	[dreg:$0x0] =	wrdreg $0xFFFFFFFF;
	(pc) =	sbr.abs _section_cstart, $3  }
0xc1: {  	[dreg:$0x1] =	wrdreg $0xFFFFFFFF  }
0xc2: {  	_ =	task.clear_ibuf [dreg:s7], $0x2FFFF;
	_ =	strace $0x9FFFFFFF  }
0xc3: {  	(tm) =	ssettm $0x7FFFFFFF  }
tec
execute0_lowered:
.L_overlay_start_1:
0x0: {  	(tag) =	ssettag $0x1  }
0x1: {  	s1 =	rddreg [dreg:$0x0]  }
0x2: {  	s0 =	srdreg.scid;
	s6 =	rddreg [dreg:$0x1]  }
0x3: {  	s8 =	rddreg [dreg:$0x2];
	s3 =	simm.s32 $0x0;
	s13 =	simm.s32 $0x7900  }
0x4: {  	s14 =	simm.s32 $0x5100;
	s15 =	simm.s32 $0xA100;
	s16 =	simm.s32 $0x80  }
0x5: {  	s17 =	simm.s32 $0x400;
	s18 =	simm.s32 $0xC900;
	s19 =	simm.s32 $0xCB80  }
0x6: {  	s20 =	simm.s32 $0x100;
	s21 =	simm.s32 $0x0;
	s5 =	sand.u32 $0x1, s0  }
0x7: {  	s0 =	stileid.u32;
	[smem:$0x7FF] =	sst s3;
	s2 =	sshll.u32 s5, $0x4  }
0x8: {  	s7 =	smul.u32 $0x500, s0;
	s9 =	sshll.u32 s5, $0x7;
	s5 =	ssub.s32 $0x2, s5  }
0x9: {  	s26 =	sshrl.u32 s0, $0x3;
	s30 =	smul.u32 $0x5000, s0;
	s31 =	sshll.u32 s0, $0x7  }
0xa: {  	s4 =	sor.u32 s0, s2;
	s2 =	rddreg [dreg:$0x3];
	s29 =	smul.u32 $0x50000, s26  }
0xb: {  	_ =	strace $0x8000004A;
	s28 =	sshrl.u32 s5, $0x1;
	s4 =	smul.u32 $0x50A, s4  }
0xc: {  	s7 =	sor.u32 s9, s7;
	s12 =	ssub.s32 s5, s28;
	s9 =	sshrl.u32 s30, $0x2  }
0xd: {  	s7 =	sshrl.u32 s7, $0x3;
	s10 =	sadd.s32 s4, s6;
	s4 =	sadd.s32 $0xAE00, s6  }
0xe: {  	s11 =	sadd.s32 s7, s6;
	s7 =	sshrl.u32 s29, $0x2;
	s5 =	sadd.s32 $0xB800, s10  }
0xf: {  	s6 =	sadd.s32 $0xC00, s10;
	s10 =	sand.u32 $0x380, s31;
	s7 =	sadd.s32 s7, s8  }
0x10: {  	s8 =	sadd.s32 s9, s8;
	s9 =	sadd.s32 $0x15A00, s11;
	s11 =	simm.s32 $0x1  }
0x11: {  	v0 =	vimm.f32 $0.0e+00;
	s7 =	sadd.s32 s10, s7;
	s10 =	smax.u32 s12, $0x1;
	s12 =	simm.s32 $0x2880  }
.LBB2_1:
0x12: {  	[tilespmem:s3], [sflag:$0x1] =	stream.linear.gather [hbm4b:s5+s3], $0x2850, $0x38;
	[tilespmem:$0xF600] =	vst v63  }
0x13: {  	_ =	swait.ge [sflag:s11], $0x2850  }
0x14: {  	[sflag:s11] =	ssyncset.done $0x0  }
0x15: {  	[sflag:s11] =	ssyncadd.s32 $0xFFFFD7B0  }
0x16: {  	[tilespmem:s12], [sflag:$0x1] =	stream.linear.gather [hbm4b:s6+s3], $0x2850, $0x38;
	[tilespmem:$0xF600] =	vst v63  }
0x17: {  	_ =	swait.ge [sflag:s11], $0x2850  }
0x18: {  	[sflag:s11] =	ssyncset.done $0x0  }
0x19: {  	[sflag:s11] =	ssyncadd.s32 $0xFFFFD7B0  }
0x1a: {  	[tilespmem:s13], [sflag:$0x1] =	stream.linear.gather [hbm4b:s4+s3], $0x2800, $0x38;
	[tilespmem:$0xF600] =	vst v63  }
0x1b: {  	_ =	swait.ge [sflag:s11], $0x2800  }
0x1c: {  	[sflag:s11] =	ssyncset.done $0x0  }
0x1d: {  	[sflag:s11] =	ssyncadd.s32 $0xFFFFD800  }
0x1e: {  	[tilespmem:s14], [sflag:$0x1] =	stream.linear.gather [hbm4b:s1+s3], $0x2800, $0x38;
	[tilespmem:$0xF600] =	vst v63  }
0x1f: {  	_ =	swait.ge [sflag:s11], $0x2800  }
0x20: {  	[sflag:s11] =	ssyncset.done $0x0  }
0x21: {  	s22 =	simm.s32 $0x0;
	[sflag:s11] =	ssyncadd.s32 $0xFFFFD800  }
.LBB2_2:
0x22: {  	p0 =	sne.s32 s22, $0x9FC0  }
.Ltmp0:
0x23: {  	_ = 	snop;
	(pc) =	sbr.rel @p0 .LBB2_2-.Ltmp0, $3  }
0x24: {  	_ =	sdelay $0x1  }
0x25: {  	s23 =	sshra.s32 s22, $0x2  }
0x26: {  	s22 =	sadd.s32 $0x40, s22;
	[tilespmem:s23+$0xA100] =	vst v0  }
0x27: {  	s23 =	simm.s32 $0x0  }
0x28: {  	s22 =	simm.s32 $0x40;
	v1 =	vld [tilespmem:s23+$0x2880]  }
.LBB2_4:
0x29: {  	p0 =	sne.s32 s22, $0xA100;
	v2 =	vld [tilespmem:s23+$0x0];
	_ =	sdelay $0x6  }
0x2a: {  	v3 =	vld.idx.msk [tilespmem:v1+s13+$0x0], $0xffff  }
0x2b: {  	v4 =	vld.idx.msk [tilespmem:v2+s13+$0x0], $0xffff;
	_ =	sdelay $0x1  }
0x2c: {  	v2 =	vld.idx.msk [tilespmem:v2+s14+$0x0], $0xffff;
	_ =	sdelay $0x3  }
0x2d: {  	v3 =	vmul.f32 v3, v4  }
.Ltmp1:
0x2e: {  	(pc) =	sbr.rel @p0 .LBB2_4-.Ltmp1, $3  }
0x2f: {  	v2 =	vmul.f32 v2, v3;
	_ =	sdelay $0x1  }
0x30: {  	s23 =	sshra.s32 s22, $0x2;
	[tilespmem:v1+s15+$0x0] =	vst.idx.add.f32.msk $0xffff, v2  }
0x31: {  	s22 =	sadd.s32 $0x40, s22;
	v1 =	vld [tilespmem:s23+$0x2880]  }
0x32: {  	_ = 	snop  }
0x33: {  	v2 =	vld [tilespmem:s23+$0x0];
	_ =	sdelay $0x6  }
0x34: {  	v3 =	vld.idx.msk [tilespmem:v1+s13+$0x0], $0xffff  }
0x35: {  	v4 =	vld.idx.msk [tilespmem:v2+s13+$0x0], $0xffff;
	_ =	sdelay $0x1  }
0x36: {  	v2 =	vld.idx.msk [tilespmem:v2+s14+$0x0], $0xffff;
	_ =	sdelay $0x2  }
0x37: {  	v3 =	vmul.f32 v3, v4;
	_ =	sdelay $0x1  }
0x38: {  	v2 =	vmul.f32 v2, v3;
	_ =	sdelay $0x1  }
0x39: {  	s22 =	simm.s32 $0x1;
	[tilespmem:v1+s15+$0x0] =	vst.idx.add.f32.msk $0xffff, v2  }
0x3a: {  	[spmem:s7] =	stream.strided.scatter [tilespmem:s15], [sflag:$0x1], $0x2800, s17, s16, $0x38;
	[tilespmem:$0xF600] =	vst v63  }
0x3b: {  	_ =	swait.ge [sflag:s22], $0x2800  }
0x3c: {  	[sflag:s22] =	ssyncset.done $0x0  }
0x3d: {  	[sflag:s22] =	ssyncadd.s32 $0xFFFFD800  }
0x3e: {  	[bflag:$0x0] =	sbarrier.arrive $0xFFFF  }
0x3f: {  	[tilespmem:s18], [sflag:$0x1] =	stream.strided.gather [spmem:s8], $0x280, s17, s16, $0x38;
	[tilespmem:$0xF600] =	vst v63  }
0x40: {  	_ =	swait.ge [sflag:s22], $0x280  }
0x41: {  	[sflag:s22] =	ssyncset.done $0x0  }
0x42: {  	[sflag:s22] =	ssyncadd.s32 $0xFFFFFD80  }
.LBB2_6:
0x43: {  	s23 =	sshrl.u32 s22, $0x3  }
0x44: {  	s23 =	smul.u32 $0x50000, s23;
	_ =	sdelay $0x1  }
0x45: {  	s24 =	sshll.u32 s22, $0x7;
	s23 =	sshra.s32 s23, $0x2  }
0x46: {  	s24 =	sand.u32 $0x380, s24;
	s23 =	sadd.s32 s23, s8  }
0x47: {  	s23 =	sadd.s32 s24, s23  }
0x48: {  	[tilespmem:s19], [sflag:$0x1] =	stream.strided.gather [spmem:s23], $0x280, s17, s16, $0x38;
	[tilespmem:$0xF600] =	vst v63  }
0x49: {  	_ =	swait.ge [sflag:s11], $0x280  }
0x4a: {  	[sflag:s11] =	ssyncset.done $0x0  }
0x4b: {  	s23 =	simm.s32 $0x0;
	[sflag:s11] =	ssyncadd.s32 $0xFFFFFD80  }
0x4c: {  	s24 =	simm.s32 $0x40;
	v1 =	vld [tilespmem:s23+$0xCB80]  }
.LBB2_7:
0x4d: {  	p0 =	sne.s32 s24, $0x9C0;
	v2 =	vld [tilespmem:s23+$0xC900];
	_ =	sdelay $0x2  }
.Ltmp2:
0x4e: {  	(pc) =	sbr.rel @p0 .LBB2_7-.Ltmp2, $4  }
0x4f: {  	_ = 	snop  }
0x50: {  	v2 =	vadd.f32 v1, v2  }
0x51: {  	s25 =	sshra.s32 s24, $0x2  }
0x52: {  	s24 =	sadd.s32 $0x40, s24;
	v1 =	vld [tilespmem:s25+$0xCB80];
	[tilespmem:s23+$0xC900] =	vst v2;
	s23 =	smov.u32 s25  }
0x53: {  	v2 =	vld [tilespmem:s23+$0xC900]  }
0x54: {  	s22 =	sadd.s32 $0x1, s22  }
0x55: {  	p0 =	sne.s32 s22, $0x10  }
.Ltmp3:
0x56: {  	_ = 	snop;
	(pc) =	sbr.rel @p0 .LBB2_6-.Ltmp3, $3  }
0x57: {  	_ = 	snop  }
0x58: {  	v1 =	vadd.f32 v1, v2;
	_ =	sdelay $0x1  }
0x59: {  	[tilespmem:s23+$0xC900] =	vst v1  }
0x5a: {  	s21 =	sadd.s32 $0x1, s21  }
0x5b: {  	p0 =	sne.s32 s21, s10  }
.Ltmp4:
0x5c: {  	_ = 	snop;
	(pc) =	sbr.rel @p0 .LBB2_1-.Ltmp4, $4  }
0x5d: {  	[hbm4b:s9+s16] =	stream.strided.scatter [tilespmem:s18], [sflag:$0x1], $0x280, s20, s16, $0x38;
	[tilespmem:$0xF600] =	vst v63  }
0x5e: {  	_ =	swait.ge [sflag:s11], $0x280  }
0x5f: {  	[sflag:s11] =	ssyncset.done $0x0  }
0x60: {  	[sflag:s11] =	ssyncadd.s32 $0xFFFFFD80  }
0x61: {  	_ =	sfence.sel $0x180000  }
0x62: {  	[bflag:$0x0] =	sbarrier.arrive $0xFFFF  }
0x63: {  	p0 =	sne.s32 s0, $0x0;
	_ =	strace $0x9000004A  }
0x64: {  	s0 =	sadd.s32 @!p0 $0x100000, s2;
	[bflag:$0x2] =	sbarrier.arrive $0xFFFF  }
0x65: {  	[sflag:s0] =	ssyncadd.tile.s32 @!p0 $0x1;
	_ =	shalt  }
.Lfunc_end2:
_tile_overlayer_lowered:
.L_overlay_start_2:
0x66: {  	(tag) =	ssettag $0x2  }
0x67: {  	s0 =	rddreg [dreg:$0x0];
	s2 =	stileid.u32  }
0x68: {  	s1 =	rddreg [dreg:$0x1];
	p0 =	sne.s32 s2, $0x0  }
0x69: {  	s3 =	rddreg [dreg:$0x2];
	[bflag:$0x3] =	sbarrier.arrive $0xFFFF;
	s2 =	simm.s32 @!p0 $0x1C01  }
0x6a: {  	[timem:s3], [sflag:s2] =	dma.local @!p0 [hbm:s0], s1  }
0x6b: {  	s0 =	simm.s32 @!p0 $0x1  }
0x6c: {  	_ =	swait.ge @!p0 [sflag:s0], s1  }
0x6d: {  	s1 =	ssub.s32 @!p0 $0x0, s1;
	[sflag:s0] =	ssyncset.done @!p0 $0x0  }
0x6e: {  	[sflag:s0] =	ssyncadd.s32 @!p0 s1  }
0x6f: {  	[bflag:$0x3] =	sbarrier.arrive $0xFFFF  }
0x70: {  	_ =	shalt  }

// kernel: kernel.13.cloned.1.call-start
scs
__scs_entry_jumppad:
0x0: {  	(pc) =	sbr.rel $0x88, $3  }
0x1: {  	(tag) =	ssettag $0x0;
	lr =	simm.s32 $0x1  }
0x2: {  	[smem:$0x3F9D] =	sst lr;
	_ =	strace $0xD0000000  }
0x3: {  	_ = 	snop  }
0x4: {  	_ = 	snop  }
0x5: {  	_ = 	snop  }
0x6: {  	_ = 	snop  }
0x7: {  	_ = 	snop  }
__scs_overlays_trampoline_lowered:
0x8: {  	[smem:$0x3FAC] =	sst s0  }
0x9: {  	[smem:$0x3FAD] =	sst s1  }
0xa: {  	[smem:$0x3FAE] =	sst s2  }
0xb: {  	[smem:$0x3FAF] =	sst s3  }
0xc: {  	[smem:$0x3FB0] =	sst s4  }
0xd: {  	[smem:$0x3FB1] =	sst s5  }
0xe: {  	[smem:$0x3FB2] =	sst s6  }
0xf: {  	[smem:$0x3FB3] =	sst s7  }
0x10: {  	[smem:$0x3FB4] =	sst s8  }
0x11: {  	[smem:$0x3FB5] =	sst s9;
	s0 =	simm.s32 @!p0 $0x0  }
0x12: {  	s1 =	sld [smem:$0x3F9B];
	s0 =	simm.s32 @p0 $0x1  }
0x13: {  	[smem:$0x3FB6] =	sst s0;
	s0 =	simm.s32 @!p1 $0x0  }
0x14: {  	s2 =	sld [smem:$0x3F9A];
	s0 =	simm.s32 @p1 $0x1  }
0x15: {  	[smem:$0x3FB7] =	sst s0;
	s0 =	simm.s32 @!p2 $0x0  }
0x16: {  	s3 =	sld [smem:$0x3FDB];
	s0 =	simm.s32 @p2 $0x1  }
0x17: {  	s4 =	simm.s32 $0x1BF5;
	[smem:$0x3FB9] =	sst s0  }
0x18: {  	s0 =	sld [smem:$0x3F9C];
	_ =	swait.ge [sflag:s4], $0x0  }
0x19: {  	s7 =	sld [smem:$0x3F9D]  }
0x1a: {  	s8 =	sadd.s32 $0xFFFFE003, lr  }
0x1b: {  	s9 =	sadd.s32 $0xFFFFFEF7, lr;
	s5 =	simm.s32 $0xFFFFFFFF;
	p2 =	slt.u32 s8, $0xFFFFF086  }
0x1c: {  	p1 =	slt.u32 s9, $0xF7A;
	s5 =	simm.s32 @!p2 $0x0  }
0x1d: {  	s5 =	simm.s32 @p1 $0x1;
	p0 =	seq.s32 s7, s2  }
0x1e: {  	s7 =	smul.u32 @!p0 $0xF7A, s2;
	p2 =	seq.s32 @!p0 s5, $0x0  }
0x1f: {  	s9 =	smul.u32 $0xF7A, s1;
	s8 =	simm.s32 @!p0 $0x1BF5;
	p2 =	por !p2, p0  }
0x20: {  	[sflag:s8] =	ssyncset.s32 @!p0 $0xFFFFF086;
	s6 =	sadd.s32 @!p0 s3, s7;
	s7 =	simm.s32 @!p0 $0x108  }
0x21: {  	s3 =	sadd.s32 s3, s9;
	s6 =	sadd.s32 @!p0 $0x88, s6;
	s7 =	simm.s32 @p2 $0x1082  }
0x22: {  	[simem:s7], [sflag:s8] =	dma.local @!p0 [hbm:s6], $0xF7A  }
0x23: {  	s9 =	sor.u32 $0xD0000000, s2;
	s6 =	simm.s32 $0x108;
	_ =	swait.ge @!p0 [sflag:s8], $0x0  }
0x24: {  	s3 =	sadd.s32 $0x88, s3;
	s6 =	simm.s32 @!p1 $0x1082;
	[sflag:s4] =	ssyncset.s32 $0xFFFFF086  }
0x25: {  	[simem:s6], [sflag:s4] =	dma.local [hbm:s3], $0xF7A  }
0x26: {  	[smem:$0x3F9D] =	sst s1;
	(tag) =	ssettag s2;
	_ =	strace s9  }
0x27: {  	s1 =	sld [smem:$0x3FAD]  }
0x28: {  	s2 =	sld [smem:$0x3FAE]  }
0x29: {  	s4 =	sld [smem:$0x3FB0]  }
0x2a: {  	p0 =	seq.s32 s5, $0x0;
	s5 =	sld [smem:$0x3FB1]  }
0x2b: {  	s6 =	sld [smem:$0x3FB2]  }
0x2c: {  	s7 =	sld [smem:$0x3FB3]  }
0x2d: {  	s3 =	simm.s32 $0x108;
	s8 =	sld [smem:$0x3FB4]  }
0x2e: {  	s3 =	simm.s32 @!p0 $0x1082;
	s9 =	sld [smem:$0x3FB5]  }
0x2f: {  	lr =	sadd.s32 s0, s3;
	s0 =	sld [smem:$0x3FAC]  }
0x30: {  	s3 =	sld [smem:$0x3FAF]  }
0x31: {  	[smem:$0x3FB8] =	sst s10  }
0x32: {  	s10 =	sld [smem:$0x3FB6];
	_ =	sdelay $0x3  }
0x33: {  	p0 =	seq.s32 s10, $0x1;
	s10 =	sld [smem:$0x3FB8];
	_ =	sdelay $0x3  }
0x34: {  	[smem:$0x3FB8] =	sst s10  }
0x35: {  	s10 =	sld [smem:$0x3FB7];
	_ =	sdelay $0x3  }
0x36: {  	p1 =	seq.s32 s10, $0x1;
	s10 =	sld [smem:$0x3FB8];
	_ =	sdelay $0x3  }
0x37: {  	[smem:$0x3FB8] =	sst s10  }
0x38: {  	s10 =	sld [smem:$0x3FB9]  }
0x39: {  	_ = 	snop;
	(pc) =	sbr.ind lr, $3  }
0x3a: {  	_ = 	snop  }
0x3b: {  	_ = 	snop  }
0x3c: {  	p2 =	seq.s32 s10, $0x1;
	s10 =	sld [smem:$0x3FB8]  }
0x3d: {  	_ =	shalt  }
0x3e: {  	_ =	shalt  }
0x3f: {  	_ =	shalt  }
0x40: {  	_ =	shalt  }
0x41: {  	_ =	shalt  }
0x42: {  	_ =	shalt  }
0x43: {  	_ =	shalt  }
0x44: {  	_ =	shalt  }
0x45: {  	_ =	shalt  }
0x46: {  	_ =	shalt  }
0x47: {  	_ =	shalt  }
0x48: {  	_ =	shalt  }
0x49: {  	_ =	shalt  }
0x4a: {  	_ =	shalt  }
0x4b: {  	_ =	shalt  }
0x4c: {  	_ =	shalt  }
0x4d: {  	_ =	shalt  }
0x4e: {  	_ =	shalt  }
0x4f: {  	_ =	shalt  }
0x50: {  	_ =	shalt  }
0x51: {  	_ =	shalt  }
0x52: {  	_ =	shalt  }
0x53: {  	_ =	shalt  }
0x54: {  	_ =	shalt  }
0x55: {  	_ =	shalt  }
0x56: {  	_ =	shalt  }
0x57: {  	_ =	shalt  }
0x58: {  	_ =	shalt  }
0x59: {  	_ =	shalt  }
0x5a: {  	_ =	shalt  }
0x5b: {  	_ =	shalt  }
0x5c: {  	_ =	shalt  }
0x5d: {  	_ =	shalt  }
0x5e: {  	_ =	shalt  }
0x5f: {  	_ =	shalt  }
0x60: {  	_ =	shalt  }
0x61: {  	_ =	shalt  }
0x62: {  	_ =	shalt  }
0x63: {  	_ =	shalt  }
0x64: {  	_ =	shalt  }
0x65: {  	_ =	shalt  }
0x66: {  	_ =	shalt  }
0x67: {  	_ =	shalt  }
0x68: {  	_ =	shalt  }
0x69: {  	_ =	shalt  }
0x6a: {  	_ =	shalt  }
0x6b: {  	_ =	shalt  }
0x6c: {  	_ =	shalt  }
0x6d: {  	_ =	shalt  }
0x6e: {  	_ =	shalt  }
0x6f: {  	_ =	shalt  }
0x70: {  	_ =	shalt  }
0x71: {  	_ =	shalt  }
0x72: {  	_ =	shalt  }
0x73: {  	_ =	shalt  }
0x74: {  	_ =	shalt  }
0x75: {  	_ =	shalt  }
0x76: {  	_ =	shalt  }
0x77: {  	_ =	shalt  }
0x78: {  	_ =	shalt  }
0x79: {  	_ =	shalt  }
0x7a: {  	_ =	shalt  }
0x7b: {  	_ =	shalt  }
0x7c: {  	_ =	shalt  }
0x7d: {  	_ =	shalt  }
0x7e: {  	_ =	shalt  }
0x7f: {  	_ =	shalt  }
0x80: {  	_ =	shalt  }
0x81: {  	_ =	shalt  }
0x82: {  	_ =	shalt  }
0x83: {  	_ =	shalt  }
0x84: {  	_ =	shalt  }
0x85: {  	_ =	shalt  }
0x86: {  	_ =	shalt  }
0x87: {  	_ =	shalt  }
.Lfunc_end0:
.L_simem_size_0:
called_computation.2_lowered:
.L_overlay_start_0:
0x88: {  	s2 =	sld [smem:$0x3FD9]  }
0x89: {  	s3 =	sld [smem:$0x3FFE];
	_ =	sdelay $0x1  }
0x8a: {  	s1 =	srdreg.scid  }
0x8b: {  	s0 =	sand.u32 $0x1, s1  }
0x8c: {  	s16 =	sshll.u32 s0, $0xA;
	s2 =	sadd.s32 s3, s2  }
0x8d: {  	s2 =	sadd.s32 s2, s16  }
0x8e: {  	[smem:$0x3FC4] =	sst s2  }
0x8f: {  	_ = 	snop  }
0x90: {  	(tm) =	ssettm $0x1  }
0x91: {  	s17 =	sld [smem:$0x3FFB];
	_ =	sdelay $0x3  }
0x92: {  	_ =	strace s17  }
0x93: {  	s2 =	sld [smem:$0x3FFC];
	_ =	sdelay $0x3  }
0x94: {  	_ =	strace s2  }
0x95: {  	s2 =	sld [smem:$0x3FFD];
	_ =	sdelay $0x3  }
0x96: {  	_ =	strace s2  }
0x97: {  	_ =	strace $0x8FFFFFFF  }
0x98: {  	s18 =	sld [smem:$0x3FDB];
	_ =	sdelay $0x1  }
0x99: {  	s19 =	simm.s32 $_scs_section_size  }
0x9a: {  	s4 =	simm.s32 $_size__tile_overlayer_lowered;
	s5 =	simm.s32 $_tile_overlayer_lowered  }
0x9b: {  	s22 =	simm.s32 $0x1BFF;
	s21 =	sshll.u32 s5, $0x1;
	s2 =	sadd.s32 s19, s18  }
0x9c: {  	s6 =	simm.s32 $0x0;
	s20 =	sshll.u32 s4, $0x1;
	s4 =	sadd.s32 s21, s2  }
0x9d: {  	[timem:s6], [sflag:s22] =	dma.local [hbm:s4], s20  }
0x9e: {  	_ =	swait.ge [sflag:s22], s20  }
0x9f: {  	s3 =	ssub.s32 $0x0, s20;
	[sflag:s22] =	ssyncset.done $0x0  }
0xa0: {  	[sflag:s22] =	ssyncadd.s32 s3;
	_ =	sdelay $0x1  }
0xa1: {  	s23 =	simm.s32 $0x1B8B  }
0xa2: {  	_ =	swait.ge [sflag:s23], $0x1  }
0xa3: {  	[sflag:s23] =	ssyncset.done $0x0  }
0xa4: {  	s25 =	simm.s32 $0x1B8E;
	s24 =	sld [smem:$0x3FFE];
	[sflag:s23] =	ssyncadd.s32 $0xFFFFFFFF  }
0xa5: {  	s26 =	simm.s32 $execute0_lowered;
	[smem:$0x3FD2] =	sst s25  }
0xa6: {  	s4 =	sshll.u32 s26, $0x1;
	_ =	strace $0x8000004C;
	[dreg:$0x1] =	wrdreg $0xFFFFFFFF  }
0xa7: {  	s28 =	simm.s32 $_size_execute0_lowered;
	s2 =	sadd.s32 s2, s4;
	[dreg:$0x0] =	wrdreg $0x0  }
0xa8: {  	s4 =	sshll.u32 s28, $0x1;
	[dreg:$0x2] =	wrdreg s2  }
0xa9: {  	[dreg:$0x3] =	wrdreg s4  }
0xaa: {  	[dreg:$0x4] =	wrdreg $0xC0  }
0xab: {  	_ =	task [dreg:s6], $0x5FFFF  }
0xac: {  	[dreg:$0x1] =	wrdreg $0xFFFFFFFF  }
0xad: {  	[dreg:$0x0] =	wrdreg $0x60  }
0xae: {  	[dreg:$0x2] =	wrdreg s24  }
0xaf: {  	[dreg:$0x3] =	wrdreg $0xF6000  }
0xb0: {  	[dreg:$0x4] =	wrdreg $0x9  }
0xb1: {  	_ =	task.clear_ibuf [dreg:s6], $0x5FFFF;
	_ =	strace $0x9000004C  }
0xb2: {  	s29 =	simm.s32 $0x9;
	_ =	strace $0x8000004E  }
0xb3: {  	_ =	swait.ge [sflag:s29], $0x1  }
0xb4: {  	[sflag:s29] =	ssyncadd.s32 $0xFFFFFFFF  }
0xb5: {  	_ =	strace $0x9000004E  }
0xb6: {  	_ =	sfence  }
0xb7: {  	s30 =	sld [smem:$0x0];
	_ =	sdelay $0x2  }
0xb8: {  	s31 =	sshll.u32 s1, $0xD;
	s1 =	sshrl.u32 s1, $0x2  }
0xb9: {  	s3 =	sand.u32 $0x4000, s31;
	s1 =	sadd.s32 s1, s30  }
0xba: {  	s0 =	sor.u32 s3, s0;
	s1 =	sshll.u32 s1, $0x11  }
0xbb: {  	s0 =	sor.u32 s1, s0  }
0xbc: {  	s0 =	sadd.s32 $0x8F2B, s0  }
0xbd: {  	[sflag:s0] =	ssyncadd.remote.s32 $0x1  }
0xbe: {  	_ =	sfence.sel $0xFFFF  }
0xbf: {  	[dreg:$0x0] =	wrdreg $0xFFFFFFFF;
	(pc) =	sbr.abs _section_cstart, $3  }
0xc0: {  	[dreg:$0x1] =	wrdreg $0xFFFFFFFF  }
0xc1: {  	_ =	task.clear_ibuf [dreg:s6], $0x2FFFF;
	_ =	strace $0x9FFFFFFF  }
0xc2: {  	(tm) =	ssettm $0x7FFFFFFF  }
0xc3: {  	_ =	shalt  }
tec
execute0_lowered:
.L_overlay_start_1:
0x0: {  	(tag) =	ssettag $0x1  }
0x1: {  	s0 =	srdreg.scid;
	s7 =	rddreg [dreg:$0x0]  }
0x2: {  	s9 =	rddreg [dreg:$0x1];
	s1 =	stileid.u32;
	s2 =	simm.s32 $0x0  }
0x3: {  	s15 =	simm.s32 $0x80;
	s16 =	simm.s32 $0x100;
	s17 =	simm.s32 $0x5100  }
0x4: {  	s18 =	simm.s32 $0xC900;
	s19 =	simm.s32 $0xA100;
	s20 =	simm.s32 $0x400  }
0x5: {  	s21 =	simm.s32 $0xF100;
	s5 =	sand.u32 $0x1, s0;
	s0 =	rddreg [dreg:$0x2]  }
0x6: {  	s22 =	simm.s32 $0xF380;
	s23 =	simm.s32 $0x0;
	[smem:$0x7FF] =	sst s2  }
0x7: {  	s6 =	smul.u32 $0x500, s1;
	s29 =	sshrl.u32 s1, $0x3;
	s13 =	sshll.u32 s1, $0x7  }
0x8: {  	s14 =	smul.u32 $0x5000, s1;
	s3 =	sshll.u32 s5, $0x4;
	_ =	strace $0x8000004D  }
0x9: {  	s10 =	sshll.u32 s5, $0x7;
	s5 =	ssub.s32 $0x2, s5;
	s30 =	sand.u32 $0x380, s13  }
0xa: {  	s13 =	simm.s32 $0x2880;
	s3 =	sor.u32 s1, s3;
	s6 =	sor.u32 s10, s6  }
0xb: {  	s11 =	sshrl.u32 s5, $0x1;
	s10 =	smul.u32 $0x50000, s29;
	s31 =	sshrl.u32 s14, $0x2  }
0xc: {  	s14 =	simm.s32 $0x7900;
	s4 =	smul.u32 $0x50A, s3;
	s6 =	sshrl.u32 s6, $0x3  }
0xd: {  	s3 =	sadd.s32 $0x15A00, s7;
	s11 =	ssub.s32 s5, s11;
	s12 =	sadd.s32 s6, s7  }
0xe: {  	s10 =	sshrl.u32 s10, $0x2;
	s11 =	smax.u32 s11, $0x1;
	s8 =	sadd.s32 s4, s7  }
0xf: {  	s4 =	sadd.s32 $0xAE00, s7;
	s10 =	sadd.s32 s10, s9;
	s7 =	sadd.s32 $0x15A10, s7  }
0x10: {  	s9 =	sadd.s32 s31, s9;
	s5 =	sadd.s32 $0xB800, s8;
	s6 =	sadd.s32 $0xC00, s8  }
0x11: {  	v0 =	vimm.f32 $0.0e+00;
	s8 =	sadd.s32 s30, s10;
	s10 =	sadd.s32 $0x16400, s12;
	s12 =	simm.s32 $0x1  }
.LBB2_1:
0x12: {  	[tilespmem:s2], [sflag:$0x1] =	stream.linear.gather [hbm4b:s5+s2], $0x2850, $0x38;
	[tilespmem:$0x11E00] =	vst v63  }
0x13: {  	_ =	swait.ge [sflag:s12], $0x2850  }
0x14: {  	[sflag:s12] =	ssyncset.done $0x0  }
0x15: {  	[sflag:s12] =	ssyncadd.s32 $0xFFFFD7B0  }
0x16: {  	[tilespmem:s13], [sflag:$0x1] =	stream.linear.gather [hbm4b:s6+s2], $0x2850, $0x38;
	[tilespmem:$0x11E00] =	vst v63  }
0x17: {  	_ =	swait.ge [sflag:s12], $0x2850  }
0x18: {  	[sflag:s12] =	ssyncset.done $0x0  }
0x19: {  	[sflag:s12] =	ssyncadd.s32 $0xFFFFD7B0  }
0x1a: {  	[tilespmem:s14], [sflag:$0x1] =	stream.linear.gather [hbm4b:s4+s2], $0x2800, $0x38;
	[tilespmem:$0x11E00] =	vst v63  }
0x1b: {  	_ =	swait.ge [sflag:s12], $0x2800  }
0x1c: {  	[sflag:s12] =	ssyncset.done $0x0  }
0x1d: {  	[sflag:s12] =	ssyncadd.s32 $0xFFFFD800  }
0x1e: {  	[tilespmem:s17], [sflag:$0x1] =	stream.strided.gather [hbm4b:s3+s15], $0x2800, s16, s15, $0x38;
	[tilespmem:$0x11E00] =	vst v63  }
0x1f: {  	_ =	swait.ge [sflag:s12], $0x2800  }
0x20: {  	[sflag:s12] =	ssyncset.done $0x0  }
0x21: {  	[sflag:s12] =	ssyncadd.s32 $0xFFFFD800  }
0x22: {  	[tilespmem:s18], [sflag:$0x1] =	stream.strided.gather [hbm4b:s7+s15], $0x2800, s16, s15, $0x38;
	[tilespmem:$0x11E00] =	vst v63  }
0x23: {  	_ =	swait.ge [sflag:s12], $0x2800  }
0x24: {  	[sflag:s12] =	ssyncset.done $0x0  }
0x25: {  	s24 =	simm.s32 $0x0;
	[sflag:s12] =	ssyncadd.s32 $0xFFFFD800  }
0x26: {  	s25 =	simm.s32 $0x40;
	v1 =	vld [tilespmem:s24+$0xC900]  }
.LBB2_2:
0x27: {  	p0 =	sne.s32 s25, $0x9FC0;
	v2 =	vld [tilespmem:s24+$0x5100];
	_ =	sdelay $0x2  }
.Ltmp0:
0x28: {  	(pc) =	sbr.rel @p0 .LBB2_2-.Ltmp0, $4  }
0x29: {  	_ = 	snop  }
0x2a: {  	v2 =	vadd.f32 v1, v2  }
0x2b: {  	s26 =	sshra.s32 s25, $0x2  }
0x2c: {  	s25 =	sadd.s32 $0x40, s25;
	v1 =	vld [tilespmem:s26+$0xC900];
	[tilespmem:s24+$0x5100] =	vst v2;
	s24 =	smov.u32 s26  }
0x2d: {  	v2 =	vld [tilespmem:s24+$0x5100];
	_ =	sdelay $0x4  }
0x2e: {  	v1 =	vadd.f32 v1, v2;
	_ =	sdelay $0x1  }
0x2f: {  	s25 =	simm.s32 $0x0;
	[tilespmem:s24+$0x5100] =	vst v1;
	s24 =	simm.s32 $0x40  }
.LBB2_4:
0x30: {  	p0 =	sne.s32 s24, $0x9FC0;
	[tilespmem:s25+$0xA100] =	vst v0;
	s25 =	smov.u32 s24;
	s24 =	sadd.s32 $0x40, s24  }
.Ltmp1:
0x31: {  	(pc) =	sbr.rel @p0 .LBB2_4-.Ltmp1, $2  }
0x32: {  	_ =	sdelay $0x2  }
0x33: {  	s25 =	sshra.s32 s25, $0x2  }
0x34: {  	[tilespmem:s25+$0xA100] =	vst v0;
	s25 =	simm.s32 $0x0  }
0x35: {  	s24 =	simm.s32 $0x40;
	v1 =	vld [tilespmem:s25+$0x2880]  }
.LBB2_6:
0x36: {  	p0 =	sne.s32 s24, $0xA100;
	v2 =	vld [tilespmem:s25+$0x0];
	_ =	sdelay $0x6  }
0x37: {  	v3 =	vld.idx.msk [tilespmem:v1+s14+$0x0], $0xffff  }
0x38: {  	v4 =	vld.idx.msk [tilespmem:v2+s14+$0x0], $0xffff;
	_ =	sdelay $0x1  }
0x39: {  	v2 =	vld.idx.msk [tilespmem:v2+s17+$0x0], $0xffff;
	_ =	sdelay $0x3  }
0x3a: {  	v3 =	vmul.f32 v3, v4  }
.Ltmp2:
0x3b: {  	(pc) =	sbr.rel @p0 .LBB2_6-.Ltmp2, $3  }
0x3c: {  	v2 =	vmul.f32 v2, v3;
	_ =	sdelay $0x1  }
0x3d: {  	s25 =	sshra.s32 s24, $0x2;
	[tilespmem:v1+s19+$0x0] =	vst.idx.add.f32.msk $0xffff, v2  }
0x3e: {  	s24 =	sadd.s32 $0x40, s24;
	v1 =	vld [tilespmem:s25+$0x2880]  }
0x3f: {  	_ = 	snop  }
0x40: {  	v2 =	vld [tilespmem:s25+$0x0];
	_ =	sdelay $0x6  }
0x41: {  	v3 =	vld.idx.msk [tilespmem:v1+s14+$0x0], $0xffff  }
0x42: {  	v4 =	vld.idx.msk [tilespmem:v2+s14+$0x0], $0xffff;
	_ =	sdelay $0x1  }
0x43: {  	v2 =	vld.idx.msk [tilespmem:v2+s17+$0x0], $0xffff;
	_ =	sdelay $0x2  }
0x44: {  	v3 =	vmul.f32 v3, v4;
	_ =	sdelay $0x1  }
0x45: {  	v2 =	vmul.f32 v2, v3;
	_ =	sdelay $0x1  }
0x46: {  	s24 =	simm.s32 $0x1;
	[tilespmem:v1+s19+$0x0] =	vst.idx.add.f32.msk $0xffff, v2  }
0x47: {  	[spmem:s8] =	stream.strided.scatter [tilespmem:s19], [sflag:$0x1], $0x2800, s20, s15, $0x38;
	[tilespmem:$0x11E00] =	vst v63  }
0x48: {  	_ =	swait.ge [sflag:s24], $0x2800  }
0x49: {  	[sflag:s24] =	ssyncset.done $0x0  }
0x4a: {  	[sflag:s24] =	ssyncadd.s32 $0xFFFFD800  }
0x4b: {  	[bflag:$0x0] =	sbarrier.arrive $0xFFFF  }
0x4c: {  	[tilespmem:s21], [sflag:$0x1] =	stream.strided.gather [spmem:s9], $0x280, s20, s15, $0x38;
	[tilespmem:$0x11E00] =	vst v63  }
0x4d: {  	_ =	swait.ge [sflag:s24], $0x280  }
0x4e: {  	[sflag:s24] =	ssyncset.done $0x0  }
0x4f: {  	[sflag:s24] =	ssyncadd.s32 $0xFFFFFD80  }
.LBB2_8:
0x50: {  	s25 =	sshrl.u32 s24, $0x3  }
0x51: {  	s25 =	smul.u32 $0x50000, s25;
	_ =	sdelay $0x1  }
0x52: {  	s26 =	sshll.u32 s24, $0x7;
	s25 =	sshra.s32 s25, $0x2  }
0x53: {  	s26 =	sand.u32 $0x380, s26;
	s25 =	sadd.s32 s25, s9  }
0x54: {  	s25 =	sadd.s32 s26, s25  }
0x55: {  	[tilespmem:s22], [sflag:$0x1] =	stream.strided.gather [spmem:s25], $0x280, s20, s15, $0x38;
	[tilespmem:$0x11E00] =	vst v63  }
0x56: {  	_ =	swait.ge [sflag:s12], $0x280  }
0x57: {  	[sflag:s12] =	ssyncset.done $0x0  }
0x58: {  	s25 =	simm.s32 $0x0;
	[sflag:s12] =	ssyncadd.s32 $0xFFFFFD80  }
0x59: {  	s26 =	simm.s32 $0x40;
	v1 =	vld [tilespmem:s25+$0xF380]  }
.LBB2_9:
0x5a: {  	p0 =	sne.s32 s26, $0x9C0;
	v2 =	vld [tilespmem:s25+$0xF100];
	_ =	sdelay $0x2  }
.Ltmp3:
0x5b: {  	(pc) =	sbr.rel @p0 .LBB2_9-.Ltmp3, $4  }
0x5c: {  	_ = 	snop  }
0x5d: {  	v2 =	vadd.f32 v1, v2  }
0x5e: {  	s28 =	sshra.s32 s26, $0x2  }
0x5f: {  	s26 =	sadd.s32 $0x40, s26;
	v1 =	vld [tilespmem:s28+$0xF380];
	[tilespmem:s25+$0xF100] =	vst v2;
	s25 =	smov.u32 s28  }
0x60: {  	v2 =	vld [tilespmem:s25+$0xF100]  }
0x61: {  	s24 =	sadd.s32 $0x1, s24  }
0x62: {  	p0 =	sne.s32 s24, $0x10  }
.Ltmp4:
0x63: {  	_ = 	snop;
	(pc) =	sbr.rel @p0 .LBB2_8-.Ltmp4, $3  }
0x64: {  	_ = 	snop  }
0x65: {  	v1 =	vadd.f32 v1, v2;
	_ =	sdelay $0x1  }
0x66: {  	[tilespmem:s25+$0xF100] =	vst v1  }
0x67: {  	s23 =	sadd.s32 $0x1, s23  }
0x68: {  	p0 =	sne.s32 s23, s11  }
.Ltmp5:
0x69: {  	_ = 	snop;
	(pc) =	sbr.rel @p0 .LBB2_1-.Ltmp5, $4  }
0x6a: {  	[hbm4b:s10+s15] =	stream.strided.scatter [tilespmem:s21], [sflag:$0x1], $0x280, s16, s15, $0x38;
	[tilespmem:$0x11E00] =	vst v63  }
0x6b: {  	_ =	swait.ge [sflag:s12], $0x280  }
0x6c: {  	[sflag:s12] =	ssyncset.done $0x0  }
0x6d: {  	[sflag:s12] =	ssyncadd.s32 $0xFFFFFD80  }
0x6e: {  	_ =	sfence.sel $0x180000  }
0x6f: {  	[bflag:$0x0] =	sbarrier.arrive $0xFFFF  }
0x70: {  	p0 =	sne.s32 s1, $0x0;
	_ =	strace $0x9000004D  }
0x71: {  	s0 =	sadd.s32 @!p0 $0x100000, s0;
	[bflag:$0x2] =	sbarrier.arrive $0xFFFF  }
0x72: {  	[sflag:s0] =	ssyncadd.tile.s32 @!p0 $0x1;
	_ =	shalt  }
.Lfunc_end2:
_tile_overlayer_lowered:
.L_overlay_start_2:
0x73: {  	(tag) =	ssettag $0x2  }
0x74: {  	s0 =	rddreg [dreg:$0x0];
	s2 =	stileid.u32  }
0x75: {  	s1 =	rddreg [dreg:$0x1];
	p0 =	sne.s32 s2, $0x0  }
0x76: {  	s3 =	rddreg [dreg:$0x2];
	[bflag:$0x3] =	sbarrier.arrive $0xFFFF;
	s2 =	simm.s32 @!p0 $0x1C01  }
0x77: {  	[timem:s3], [sflag:s2] =	dma.local @!p0 [hbm:s0], s1  }
0x78: {  	s0 =	simm.s32 @!p0 $0x1  }
0x79: {  	_ =	swait.ge @!p0 [sflag:s0], s1  }
0x7a: {  	s1 =	ssub.s32 @!p0 $0x0, s1;
	[sflag:s0] =	ssyncset.done @!p0 $0x0  }
0x7b: {  	[sflag:s0] =	ssyncadd.s32 @!p0 s1  }
0x7c: {  	[bflag:$0x3] =	sbarrier.arrive $0xFFFF  }
0x7d: {  	_ =	shalt  }

// kernel: kernel.7.cloned.1.call-start
scs
__scs_entry_jumppad:
0x0: {  	(pc) =	sbr.rel $0x88, $3  }
0x1: {  	(tag) =	ssettag $0x0;
	lr =	simm.s32 $0x1  }
0x2: {  	[smem:$0x3F9D] =	sst lr;
	_ =	strace $0xD0000000  }
0x3: {  	_ = 	snop  }
0x4: {  	_ = 	snop  }
0x5: {  	_ = 	snop  }
0x6: {  	_ = 	snop  }
0x7: {  	_ = 	snop  }
__scs_overlays_trampoline_lowered:
0x8: {  	[smem:$0x3FAC] =	sst s0  }
0x9: {  	[smem:$0x3FAD] =	sst s1  }
0xa: {  	[smem:$0x3FAE] =	sst s2  }
0xb: {  	[smem:$0x3FAF] =	sst s3  }
0xc: {  	[smem:$0x3FB0] =	sst s4  }
0xd: {  	[smem:$0x3FB1] =	sst s5  }
0xe: {  	[smem:$0x3FB2] =	sst s6  }
0xf: {  	[smem:$0x3FB3] =	sst s7  }
0x10: {  	[smem:$0x3FB4] =	sst s8  }
0x11: {  	[smem:$0x3FB5] =	sst s9;
	s0 =	simm.s32 @!p0 $0x0  }
0x12: {  	s1 =	sld [smem:$0x3F9B];
	s0 =	simm.s32 @p0 $0x1  }
0x13: {  	[smem:$0x3FB6] =	sst s0;
	s0 =	simm.s32 @!p1 $0x0  }
0x14: {  	s2 =	sld [smem:$0x3F9A];
	s0 =	simm.s32 @p1 $0x1  }
0x15: {  	[smem:$0x3FB7] =	sst s0;
	s0 =	simm.s32 @!p2 $0x0  }
0x16: {  	s3 =	sld [smem:$0x3FDB];
	s0 =	simm.s32 @p2 $0x1  }
0x17: {  	s4 =	simm.s32 $0x1BF5;
	[smem:$0x3FB9] =	sst s0  }
0x18: {  	s0 =	sld [smem:$0x3F9C];
	_ =	swait.ge [sflag:s4], $0x0  }
0x19: {  	s7 =	sld [smem:$0x3F9D]  }
0x1a: {  	s8 =	sadd.s32 $0xFFFFE003, lr  }
0x1b: {  	s9 =	sadd.s32 $0xFFFFFEF7, lr;
	s5 =	simm.s32 $0xFFFFFFFF;
	p2 =	slt.u32 s8, $0xFFFFF086  }
0x1c: {  	p1 =	slt.u32 s9, $0xF7A;
	s5 =	simm.s32 @!p2 $0x0  }
0x1d: {  	s5 =	simm.s32 @p1 $0x1;
	p0 =	seq.s32 s7, s2  }
0x1e: {  	s7 =	smul.u32 @!p0 $0xF7A, s2;
	p2 =	seq.s32 @!p0 s5, $0x0  }
0x1f: {  	s9 =	smul.u32 $0xF7A, s1;
	s8 =	simm.s32 @!p0 $0x1BF5;
	p2 =	por !p2, p0  }
0x20: {  	[sflag:s8] =	ssyncset.s32 @!p0 $0xFFFFF086;
	s6 =	sadd.s32 @!p0 s3, s7;
	s7 =	simm.s32 @!p0 $0x108  }
0x21: {  	s3 =	sadd.s32 s3, s9;
	s6 =	sadd.s32 @!p0 $0x88, s6;
	s7 =	simm.s32 @p2 $0x1082  }
0x22: {  	[simem:s7], [sflag:s8] =	dma.local @!p0 [hbm:s6], $0xF7A  }
0x23: {  	s9 =	sor.u32 $0xD0000000, s2;
	s6 =	simm.s32 $0x108;
	_ =	swait.ge @!p0 [sflag:s8], $0x0  }
0x24: {  	s3 =	sadd.s32 $0x88, s3;
	s6 =	simm.s32 @!p1 $0x1082;
	[sflag:s4] =	ssyncset.s32 $0xFFFFF086  }
0x25: {  	[simem:s6], [sflag:s4] =	dma.local [hbm:s3], $0xF7A  }
0x26: {  	[smem:$0x3F9D] =	sst s1;
	(tag) =	ssettag s2;
	_ =	strace s9  }
0x27: {  	s1 =	sld [smem:$0x3FAD]  }
0x28: {  	s2 =	sld [smem:$0x3FAE]  }
0x29: {  	s4 =	sld [smem:$0x3FB0]  }
0x2a: {  	p0 =	seq.s32 s5, $0x0;
	s5 =	sld [smem:$0x3FB1]  }
0x2b: {  	s6 =	sld [smem:$0x3FB2]  }
0x2c: {  	s7 =	sld [smem:$0x3FB3]  }
0x2d: {  	s3 =	simm.s32 $0x108;
	s8 =	sld [smem:$0x3FB4]  }
0x2e: {  	s3 =	simm.s32 @!p0 $0x1082;
	s9 =	sld [smem:$0x3FB5]  }
0x2f: {  	lr =	sadd.s32 s0, s3;
	s0 =	sld [smem:$0x3FAC]  }
0x30: {  	s3 =	sld [smem:$0x3FAF]  }
0x31: {  	[smem:$0x3FB8] =	sst s10  }
0x32: {  	s10 =	sld [smem:$0x3FB6];
	_ =	sdelay $0x3  }
0x33: {  	p0 =	seq.s32 s10, $0x1;
	s10 =	sld [smem:$0x3FB8];
	_ =	sdelay $0x3  }
0x34: {  	[smem:$0x3FB8] =	sst s10  }
0x35: {  	s10 =	sld [smem:$0x3FB7];
	_ =	sdelay $0x3  }
0x36: {  	p1 =	seq.s32 s10, $0x1;
	s10 =	sld [smem:$0x3FB8];
	_ =	sdelay $0x3  }
0x37: {  	[smem:$0x3FB8] =	sst s10  }
0x38: {  	s10 =	sld [smem:$0x3FB9]  }
0x39: {  	_ = 	snop;
	(pc) =	sbr.ind lr, $3  }
0x3a: {  	_ = 	snop  }
0x3b: {  	_ = 	snop  }
0x3c: {  	p2 =	seq.s32 s10, $0x1;
	s10 =	sld [smem:$0x3FB8]  }
0x3d: {  	_ =	shalt  }
0x3e: {  	_ =	shalt  }
0x3f: {  	_ =	shalt  }
0x40: {  	_ =	shalt  }
0x41: {  	_ =	shalt  }
0x42: {  	_ =	shalt  }
0x43: {  	_ =	shalt  }
0x44: {  	_ =	shalt  }
0x45: {  	_ =	shalt  }
0x46: {  	_ =	shalt  }
0x47: {  	_ =	shalt  }
0x48: {  	_ =	shalt  }
0x49: {  	_ =	shalt  }
0x4a: {  	_ =	shalt  }
0x4b: {  	_ =	shalt  }
0x4c: {  	_ =	shalt  }
0x4d: {  	_ =	shalt  }
0x4e: {  	_ =	shalt  }
0x4f: {  	_ =	shalt  }
0x50: {  	_ =	shalt  }
0x51: {  	_ =	shalt  }
0x52: {  	_ =	shalt  }
0x53: {  	_ =	shalt  }
0x54: {  	_ =	shalt  }
0x55: {  	_ =	shalt  }
0x56: {  	_ =	shalt  }
0x57: {  	_ =	shalt  }
0x58: {  	_ =	shalt  }
0x59: {  	_ =	shalt  }
0x5a: {  	_ =	shalt  }
0x5b: {  	_ =	shalt  }
0x5c: {  	_ =	shalt  }
0x5d: {  	_ =	shalt  }
0x5e: {  	_ =	shalt  }
0x5f: {  	_ =	shalt  }
0x60: {  	_ =	shalt  }
0x61: {  	_ =	shalt  }
0x62: {  	_ =	shalt  }
0x63: {  	_ =	shalt  }
0x64: {  	_ =	shalt  }
0x65: {  	_ =	shalt  }
0x66: {  	_ =	shalt  }
0x67: {  	_ =	shalt  }
0x68: {  	_ =	shalt  }
0x69: {  	_ =	shalt  }
0x6a: {  	_ =	shalt  }
0x6b: {  	_ =	shalt  }
0x6c: {  	_ =	shalt  }
0x6d: {  	_ =	shalt  }
0x6e: {  	_ =	shalt  }
0x6f: {  	_ =	shalt  }
0x70: {  	_ =	shalt  }
0x71: {  	_ =	shalt  }
0x72: {  	_ =	shalt  }
0x73: {  	_ =	shalt  }
0x74: {  	_ =	shalt  }
0x75: {  	_ =	shalt  }
0x76: {  	_ =	shalt  }
0x77: {  	_ =	shalt  }
0x78: {  	_ =	shalt  }
0x79: {  	_ =	shalt  }
0x7a: {  	_ =	shalt  }
0x7b: {  	_ =	shalt  }
0x7c: {  	_ =	shalt  }
0x7d: {  	_ =	shalt  }
0x7e: {  	_ =	shalt  }
0x7f: {  	_ =	shalt  }
0x80: {  	_ =	shalt  }
0x81: {  	_ =	shalt  }
0x82: {  	_ =	shalt  }
0x83: {  	_ =	shalt  }
0x84: {  	_ =	shalt  }
0x85: {  	_ =	shalt  }
0x86: {  	_ =	shalt  }
0x87: {  	_ =	shalt  }
.Lfunc_end0:
.L_simem_size_0:
called_computation_lowered:
.L_overlay_start_0:
0x88: {  	s2 =	sld [smem:$0x3FD9]  }
0x89: {  	s3 =	sld [smem:$0x3FFE];
	_ =	sdelay $0x1  }
0x8a: {  	s1 =	srdreg.scid  }
0x8b: {  	s0 =	sand.u32 $0x1, s1  }
0x8c: {  	s16 =	sshll.u32 s0, $0xA;
	s2 =	sadd.s32 s3, s2  }
0x8d: {  	s2 =	sadd.s32 s2, s16  }
0x8e: {  	[smem:$0x3FC4] =	sst s2  }
0x8f: {  	_ = 	snop  }
0x90: {  	(tm) =	ssettm $0x1  }
0x91: {  	s17 =	sld [smem:$0x3FFB];
	_ =	sdelay $0x3  }
0x92: {  	_ =	strace s17  }
0x93: {  	s2 =	sld [smem:$0x3FFC];
	_ =	sdelay $0x3  }
0x94: {  	_ =	strace s2  }
0x95: {  	s2 =	sld [smem:$0x3FFD];
	_ =	sdelay $0x3  }
0x96: {  	_ =	strace s2  }
0x97: {  	_ =	strace $0x8FFFFFFF  }
0x98: {  	s18 =	sld [smem:$0x3FDB];
	_ =	sdelay $0x1  }
0x99: {  	s19 =	simm.s32 $_scs_section_size  }
0x9a: {  	s4 =	simm.s32 $_size__tile_overlayer_lowered;
	s5 =	simm.s32 $_tile_overlayer_lowered  }
0x9b: {  	s22 =	simm.s32 $0x1BFF;
	s21 =	sshll.u32 s5, $0x1;
	s2 =	sadd.s32 s19, s18  }
0x9c: {  	s6 =	simm.s32 $0x0;
	s20 =	sshll.u32 s4, $0x1;
	s4 =	sadd.s32 s21, s2  }
0x9d: {  	[timem:s6], [sflag:s22] =	dma.local [hbm:s4], s20  }
0x9e: {  	_ =	swait.ge [sflag:s22], s20  }
0x9f: {  	s3 =	ssub.s32 $0x0, s20;
	[sflag:s22] =	ssyncset.done $0x0  }
0xa0: {  	[sflag:s22] =	ssyncadd.s32 s3;
	_ =	sdelay $0x1  }
0xa1: {  	s23 =	simm.s32 $0x1B8B  }
0xa2: {  	_ =	swait.ge [sflag:s23], $0x1  }
0xa3: {  	[sflag:s23] =	ssyncset.done $0x0  }
0xa4: {  	s25 =	simm.s32 $0x1B8E;
	s24 =	sld [smem:$0x3FFE];
	[sflag:s23] =	ssyncadd.s32 $0xFFFFFFFF  }
0xa5: {  	s26 =	simm.s32 $execute0_lowered;
	[smem:$0x3FD2] =	sst s25  }
0xa6: {  	s4 =	sshll.u32 s26, $0x1;
	_ =	strace $0x80000046;
	[dreg:$0x1] =	wrdreg $0xFFFFFFFF  }
0xa7: {  	s28 =	simm.s32 $_size_execute0_lowered;
	s2 =	sadd.s32 s2, s4;
	[dreg:$0x0] =	wrdreg $0x0  }
0xa8: {  	s4 =	sshll.u32 s28, $0x1;
	[dreg:$0x2] =	wrdreg s2  }
0xa9: {  	[dreg:$0x3] =	wrdreg s4  }
0xaa: {  	[dreg:$0x4] =	wrdreg $0xC0  }
0xab: {  	_ =	task [dreg:s6], $0x5FFFF  }
0xac: {  	[dreg:$0x1] =	wrdreg $0xFFFFFFFF  }
0xad: {  	[dreg:$0x0] =	wrdreg $0x60  }
0xae: {  	[dreg:$0x2] =	wrdreg s24  }
0xaf: {  	[dreg:$0x3] =	wrdreg $0x55800  }
0xb0: {  	[dreg:$0x4] =	wrdreg $0x9  }
0xb1: {  	_ =	task.clear_ibuf [dreg:s6], $0x5FFFF;
	_ =	strace $0x90000046  }
0xb2: {  	s29 =	simm.s32 $0x9;
	_ =	strace $0x80000048  }
0xb3: {  	_ =	swait.ge [sflag:s29], $0x1  }
0xb4: {  	[sflag:s29] =	ssyncadd.s32 $0xFFFFFFFF  }
0xb5: {  	_ =	strace $0x90000048  }
0xb6: {  	_ =	sfence  }
0xb7: {  	s30 =	sld [smem:$0x0];
	_ =	sdelay $0x2  }
0xb8: {  	s31 =	sshll.u32 s1, $0xD;
	s1 =	sshrl.u32 s1, $0x2  }
0xb9: {  	s3 =	sand.u32 $0x4000, s31;
	s1 =	sadd.s32 s1, s30  }
0xba: {  	s0 =	sor.u32 s3, s0;
	s1 =	sshll.u32 s1, $0x11  }
0xbb: {  	s0 =	sor.u32 s1, s0  }
0xbc: {  	s0 =	sadd.s32 $0x8F2B, s0  }
0xbd: {  	[sflag:s0] =	ssyncadd.remote.s32 $0x1  }
0xbe: {  	_ =	sfence.sel $0xFFFF  }
0xbf: {  	[dreg:$0x0] =	wrdreg $0xFFFFFFFF;
	(pc) =	sbr.abs _section_cstart, $3  }
0xc0: {  	[dreg:$0x1] =	wrdreg $0xFFFFFFFF  }
0xc1: {  	_ =	task.clear_ibuf [dreg:s6], $0x2FFFF;
	_ =	strace $0x9FFFFFFF  }
0xc2: {  	(tm) =	ssettm $0x7FFFFFFF  }
0xc3: {  	_ =	shalt  }
tec
execute0_lowered:
.L_overlay_start_1:
0x0: {  	(tag) =	ssettag $0x1  }
0x1: {  	s4 =	rddreg [dreg:$0x0]  }
0x2: {  	s0 =	srdreg.scid;
	s5 =	rddreg [dreg:$0x1]  }
0x3: {  	s2 =	simm.s32 $0x0;
	s11 =	simm.s32 $0x400;
	s12 =	simm.s32 $0x5080  }
0x4: {  	s13 =	simm.s32 $0x5300;
	s14 =	simm.s32 $0x100;
	s15 =	simm.s32 $0x0  }
0x5: {  	s3 =	sand.u32 $0x1, s0;
	s0 =	stileid.u32;
	[smem:$0x7FF] =	sst s2  }
0x6: {  	s1 =	sshll.u32 s3, $0x4;
	s7 =	smul.u32 $0x500, s0;
	s8 =	sshll.u32 s3, $0x7  }
0x7: {  	s3 =	ssub.s32 $0x2, s3;
	s29 =	sshrl.u32 s0, $0x3;
	s30 =	smul.u32 $0x5000, s0  }
0x8: {  	s31 =	sshll.u32 s0, $0x7;
	s6 =	sor.u32 s0, s1;
	s1 =	rddreg [dreg:$0x2]  }
0x9: {  	_ =	strace $0x80000047;
	s9 =	sshrl.u32 s3, $0x1;
	s6 =	smul.u32 $0x50A, s6  }
0xa: {  	s7 =	sor.u32 s8, s7;
	s8 =	smul.u32 $0x50000, s29;
	s9 =	ssub.s32 s3, s9  }
0xb: {  	s10 =	sshrl.u32 s30, $0x2;
	s7 =	sshrl.u32 s7, $0x3;
	s6 =	sadd.s32 s6, s4  }
0xc: {  	s7 =	sadd.s32 s7, s4;
	s8 =	sshrl.u32 s8, $0x2;
	s3 =	sadd.s32 $0xC00, s6  }
0xd: {  	s6 =	sand.u32 $0x380, s31;
	s8 =	sadd.s32 s8, s5;
	s5 =	sadd.s32 s10, s5  }
0xe: {  	s10 =	simm.s32 $0x80;
	s4 =	sadd.s32 s6, s8;
	s6 =	sadd.s32 $0xAE00, s7  }
0xf: {  	v0 =	vimm.f32 $0.0e+00;
	v1 =	vimm.f32 $1.000000000e+00;
	s7 =	smax.u32 s9, $0x1;
	s8 =	simm.s32 $0x1;
	s9 =	simm.s32 $0x2880  }
.LBB2_1:
0x10: {  	[tilespmem:s2], [sflag:$0x1] =	stream.linear.gather [hbm4b:s3+s2], $0x2850, $0x38;
	[tilespmem:$0x7D80] =	vst v63  }
0x11: {  	_ =	swait.ge [sflag:s8], $0x2850  }
0x12: {  	[sflag:s8] =	ssyncset.done $0x0  }
0x13: {  	s16 =	simm.s32 $0x0;
	[sflag:s8] =	ssyncadd.s32 $0xFFFFD7B0  }
.LBB2_2:
0x14: {  	p0 =	sne.s32 s16, $0x9FC0  }
.Ltmp0:
0x15: {  	_ = 	snop;
	(pc) =	sbr.rel @p0 .LBB2_2-.Ltmp0, $3  }
0x16: {  	_ =	sdelay $0x1  }
0x17: {  	s17 =	sshra.s32 s16, $0x2  }
0x18: {  	s16 =	sadd.s32 $0x40, s16;
	[tilespmem:s17+$0x2880] =	vst v0  }
0x19: {  	s17 =	simm.s32 $0x0;
	s16 =	simm.s32 $0x40  }
.LBB2_4:
0x1a: {  	p0 =	sne.s32 s16, $0xA100;
	v2 =	vld [tilespmem:s17+$0x0];
	_ =	sdelay $0x3  }
.Ltmp1:
0x1b: {  	(pc) =	sbr.rel @p0 .LBB2_4-.Ltmp1, $2  }
0x1c: {  	_ =	sdelay $0x2  }
0x1d: {  	s17 =	sshra.s32 s16, $0x2;
	s16 =	sadd.s32 $0x40, s16;
	[tilespmem:v2+s9+$0x0] =	vst.idx.add.f32.msk $0xffff, v1  }
0x1e: {  	v2 =	vld [tilespmem:s17+$0x0];
	_ =	sdelay $0x7  }
0x1f: {  	s16 =	simm.s32 $0x1;
	[tilespmem:v2+s9+$0x0] =	vst.idx.add.f32.msk $0xffff, v1  }
0x20: {  	[spmem:s4] =	stream.strided.scatter [tilespmem:s9], [sflag:$0x1], $0x2800, s11, s10, $0x38;
	[tilespmem:$0x7D80] =	vst v63  }
0x21: {  	_ =	swait.ge [sflag:s16], $0x2800  }
0x22: {  	[sflag:s16] =	ssyncset.done $0x0  }
0x23: {  	[sflag:s16] =	ssyncadd.s32 $0xFFFFD800  }
0x24: {  	[bflag:$0x0] =	sbarrier.arrive $0xFFFF  }
0x25: {  	[tilespmem:s12], [sflag:$0x1] =	stream.strided.gather [spmem:s5], $0x280, s11, s10, $0x38;
	[tilespmem:$0x7D80] =	vst v63  }
0x26: {  	_ =	swait.ge [sflag:s16], $0x280  }
0x27: {  	[sflag:s16] =	ssyncset.done $0x0  }
0x28: {  	[sflag:s16] =	ssyncadd.s32 $0xFFFFFD80  }
.LBB2_6:
0x29: {  	s17 =	sshrl.u32 s16, $0x3  }
0x2a: {  	s17 =	smul.u32 $0x50000, s17;
	_ =	sdelay $0x1  }
0x2b: {  	s18 =	sshll.u32 s16, $0x7;
	s17 =	sshra.s32 s17, $0x2  }
0x2c: {  	s18 =	sand.u32 $0x380, s18;
	s17 =	sadd.s32 s17, s5  }
0x2d: {  	s17 =	sadd.s32 s18, s17  }
0x2e: {  	[tilespmem:s13], [sflag:$0x1] =	stream.strided.gather [spmem:s17], $0x280, s11, s10, $0x38;
	[tilespmem:$0x7D80] =	vst v63  }
0x2f: {  	_ =	swait.ge [sflag:s8], $0x280  }
0x30: {  	[sflag:s8] =	ssyncset.done $0x0  }
0x31: {  	s17 =	simm.s32 $0x0;
	[sflag:s8] =	ssyncadd.s32 $0xFFFFFD80  }
0x32: {  	s18 =	simm.s32 $0x40;
	v2 =	vld [tilespmem:s17+$0x5300]  }
.LBB2_7:
0x33: {  	p0 =	sne.s32 s18, $0x9C0;
	v3 =	vld [tilespmem:s17+$0x5080];
	_ =	sdelay $0x2  }
.Ltmp2:
0x34: {  	(pc) =	sbr.rel @p0 .LBB2_7-.Ltmp2, $4  }
0x35: {  	_ = 	snop  }
0x36: {  	v3 =	vadd.f32 v2, v3  }
0x37: {  	s19 =	sshra.s32 s18, $0x2  }
0x38: {  	s18 =	sadd.s32 $0x40, s18;
	v2 =	vld [tilespmem:s19+$0x5300];
	[tilespmem:s17+$0x5080] =	vst v3;
	s17 =	smov.u32 s19  }
0x39: {  	v3 =	vld [tilespmem:s17+$0x5080]  }
0x3a: {  	s16 =	sadd.s32 $0x1, s16  }
0x3b: {  	p0 =	sne.s32 s16, $0x10  }
.Ltmp3:
0x3c: {  	_ = 	snop;
	(pc) =	sbr.rel @p0 .LBB2_6-.Ltmp3, $3  }
0x3d: {  	_ = 	snop  }
0x3e: {  	v2 =	vadd.f32 v2, v3;
	_ =	sdelay $0x1  }
0x3f: {  	[tilespmem:s17+$0x5080] =	vst v2  }
0x40: {  	s15 =	sadd.s32 $0x1, s15  }
0x41: {  	p0 =	sne.s32 s15, s7  }
.Ltmp4:
0x42: {  	_ = 	snop;
	(pc) =	sbr.rel @p0 .LBB2_1-.Ltmp4, $4  }
0x43: {  	[hbm4b:s6+s10] =	stream.strided.scatter [tilespmem:s12], [sflag:$0x1], $0x280, s14, s10, $0x38;
	[tilespmem:$0x7D80] =	vst v63  }
0x44: {  	_ =	swait.ge [sflag:s8], $0x280  }
0x45: {  	[sflag:s8] =	ssyncset.done $0x0  }
0x46: {  	[sflag:s8] =	ssyncadd.s32 $0xFFFFFD80  }
0x47: {  	_ =	sfence.sel $0x180000  }
0x48: {  	[bflag:$0x0] =	sbarrier.arrive $0xFFFF  }
0x49: {  	p0 =	sne.s32 s0, $0x0;
	_ =	strace $0x90000047  }
0x4a: {  	s0 =	sadd.s32 @!p0 $0x100000, s1;
	[bflag:$0x2] =	sbarrier.arrive $0xFFFF  }
0x4b: {  	[sflag:s0] =	ssyncadd.tile.s32 @!p0 $0x1;
	_ =	shalt  }
.Lfunc_end2:
_tile_overlayer_lowered:
.L_overlay_start_2:
0x4c: {  	(tag) =	ssettag $0x2  }
0x4d: {  	s0 =	rddreg [dreg:$0x0];
	s2 =	stileid.u32  }
0x4e: {  	s1 =	rddreg [dreg:$0x1];
	p0 =	sne.s32 s2, $0x0  }
0x4f: {  	s3 =	rddreg [dreg:$0x2];
	[bflag:$0x3] =	sbarrier.arrive $0xFFFF;
	s2 =	simm.s32 @!p0 $0x1C01  }
0x50: {  	[timem:s3], [sflag:s2] =	dma.local @!p0 [hbm:s0], s1  }
0x51: {  	s0 =	simm.s32 @!p0 $0x1  }
0x52: {  	_ =	swait.ge @!p0 [sflag:s0], s1  }
0x53: {  	s1 =	ssub.s32 @!p0 $0x0, s1;
	[sflag:s0] =	ssyncset.done @!p0 $0x0  }
0x54: {  	[sflag:s0] =	ssyncadd.s32 @!p0 s1  }
0x55: {  	[bflag:$0x3] =	sbarrier.arrive $0xFFFF  }
0x56: {  	_ =	shalt  }

</sc_bundles>
